<compile_context>
chip_gen: v7x
topology: tpu7x:2x2x1
jax: 0.10.2.dev20260603
libtpu: 0.0.44.dev20260713+nightly
codegen_flags: <defaults>
</compile_context>

<pallas_src>
import functools

import jax
import jax.numpy as jnp
from jax import lax
from jax.experimental import pallas as pl
from jax.experimental.pallas import tpu as pltpu
from jax.experimental.pallas import tpu_sc as plsc

H = 16
NB = 19
L = 2048
NV = 10
LANES = 16

NC, NS = 2, 16
NW = NC * NS
HALVES = NW // H
ROWS = L // HALVES
CHUNK = 16


def _sc_bias_kernel(t_hbm, tab_hbm, out_hbm, t_v, tab_v, r_v, sem):
    wid = lax.axis_index("s") * NC + lax.axis_index("c")
    h = wid // HALVES
    r0 = (wid % HALVES) * ROWS

    pltpu.sync_copy(t_hbm, t_v)
    pltpu.sync_copy(tab_hbm, tab_v)

    hbase = h * NB

    def build(c, carry):
        tv = t_v[pl.ds(c * LANES, LANES)]
        for a in range(NV):
            idx = (hbase + a + NB // 2) - tv
            r_v[a, pl.ds(c * LANES, LANES)] = plsc.load_gather(tab_v, [idx])
        return carry

    lax.fori_loop(0, L // LANES, build, 0)

    def emit(c, carry):
        copies = []
        for g in range(CHUNK // LANES):
            row0 = r0 + c * CHUNK + g * LANES
            tv = t_v[pl.ds(row0, LANES)]
            for k in range(LANES):
                a = tv[k]
                cp = pltpu.make_async_copy(r_v.at[a], out_hbm.at[h, row0 + k], sem)
                cp.start()
                copies.append(cp)
        for cp in copies:
            cp.wait()
        return carry

    lax.fori_loop(0, ROWS // CHUNK, emit, 0)


def kernel(temporal_tokens, lookup_table_bias):
    t = temporal_tokens[0]

    run = functools.partial(
        pl.kernel,
        out_type=jax.ShapeDtypeStruct((H, L, L), jnp.float32),
        mesh=plsc.VectorSubcoreMesh(core_axis_name="c", subcore_axis_name="s"),
        scratch_types=[
            pltpu.VMEM((L,), jnp.int32),
            pltpu.VMEM((H * NB,), jnp.float32),
            pltpu.VMEM((NV, L), jnp.float32),
            pltpu.SemaphoreType.DMA,
        ],
        compiler_params=pltpu.CompilerParams(needs_layout_passes=False),
    )(_sc_bias_kernel)

    out = run(t, lookup_table_bias.reshape(H * NB))
    return out.reshape(1, H, L, L)

# --- scband reference (transcript-rebuilt; emitter-appended) ---
"""Pipeline reference for scband-relative-tem-embedding-65773129170979 (READ-ONLY COPY).

The authoritative reference and input builder live on the scoring server;
editing this copy changes nothing except your own understanding.
"""

import jax, jax.numpy as jnp
import numpy as np

NUM_HEADS = 16
NUM_BUCKETS = 19  # 2 * 10 - 1 (relative_directional=True)
B = 2
L = 2048


def setup_inputs(seed: int = 0) -> dict:
    key = jax.random.key(seed)
    k1, k2 = jax.random.split(key)
    temporal_tokens = jax.random.randint(k1, (B, L), 0, 10, dtype=jnp.int32)
    # learned parameter: lookup_table_bias [num_heads, num_buckets]
    lookup_table_bias = jax.random.normal(k2, (NUM_HEADS, NUM_BUCKETS), dtype=jnp.float32) * 0.02
    return {"temporal_tokens": temporal_tokens, "lookup_table_bias": lookup_table_bias}


def reference(temporal_tokens, lookup_table_bias):
    # rp_bucket = t[:, :, None] - t[:, None, :]  (pairwise relative positions)
    rp = temporal_tokens[:, :, None] - temporal_tokens[:, None, :]
    # relative_directional=True -> shift into [0, NUM_BUCKETS)
    rp = rp + NUM_BUCKETS // 2
    # in_lin=False -> use only the first batch element's bucket matrix
    rp_bucket = rp[0]
    Lq = rp_bucket.shape[0]
    # bias mode: index_select along bucket axis, view as [1, H, L, L]
    embs = jnp.take(lookup_table_bias, rp_bucket.reshape(-1), axis=1)
    embs = embs.reshape(1, NUM_HEADS, Lq, Lq)
    return embs

if __name__ == "__main__":
    import jax
    _d = setup_inputs()
    print(jax.jit(kernel)(*tuple(_d.values())))

</pallas_src>

<mosaic_0001>
#map = affine_map<(d0, d1) -> (0)>
#map1 = affine_map<(d0, d1) -> (0, 0, 0)>
module attributes {stable_mosaic.version = 14 : i64} {
  func.func @_sc_bias_kernel(%arg0: i32, %arg1: i32, %arg2: memref<2048xi32, #tpu.memory_space<hbm>>, %arg3: memref<304xf32, #tpu.memory_space<hbm>>, %arg4: memref<16x2048x2048xf32, #tpu.memory_space<hbm>>, %arg5: memref<2048xi32, #tpu.memory_space<vmem>>, %arg6: memref<304xf32, #tpu.memory_space<vmem>>, %arg7: memref<10x2048xf32, #tpu.memory_space<vmem>>, %arg8: memref<!tpu.dma_semaphore, #tpu.memory_space<semaphore_mem>>) attributes {dimension_semantics = [#tpu.dimension_semantics<core_parallel>, #tpu.dimension_semantics<subcore_parallel>], iteration_bounds = array<i64: 2, 16>, scalar_prefetch = 0 : i64, scratch_operands = 4 : i64, tpu.core_type = #tpu.core_type<sc_vector_subcore>, window_params = [{transform_indices = #map}, {transform_indices = #map}, {transform_indices = #map1}]} {
    %mul3A = arith.constant 2 : i32
    %mul3A_0 = arith.muli %arg1, %mul3A : i32
    %add3A = arith.addi %mul3A_0, %arg0 : i32
    %jit3A = arith.constant 2 : i32
    %div3A = arith.divsi %add3A, %jit3A : i32
    %sign3A = arith.constant 0 : i32
    %sign3A_1 = arith.cmpi sgt, %add3A, %sign3A : i32
    %sign3A_2 = arith.extui %sign3A_1 : i1 to i32
    %sign3A_3 = arith.constant 0 : i32
    %sign3A_4 = arith.cmpi slt, %add3A, %sign3A_3 : i32
    %sign3A_5 = arith.extui %sign3A_4 : i1 to i32
    %sign3A_6 = arith.subi %sign3A_2, %sign3A_5 : i32
    %sign3A_7 = arith.constant 0 : i32
    %sign3A_8 = arith.cmpi sgt, %jit3A, %sign3A_7 : i32
    %sign3A_9 = arith.extui %sign3A_8 : i1 to i32
    %sign3A_10 = arith.constant 0 : i32
    %sign3A_11 = arith.cmpi slt, %jit3A, %sign3A_10 : i32
    %sign3A_12 = arith.extui %sign3A_11 : i1 to i32
    %sign3A_13 = arith.subi %sign3A_9, %sign3A_12 : i32
    %ne3A = arith.cmpi ne, %sign3A_6, %sign3A_13 : i32
    %rem3A = arith.remsi %add3A, %jit3A : i32
    %ne3A_14 = arith.constant 0 : i32
    %ne3A_15 = arith.cmpi ne, %rem3A, %ne3A_14 : i32
    %and3A = arith.andi %ne3A, %ne3A_15 : i1
    %sub3A = arith.constant 1 : i32
    %sub3A_16 = arith.subi %div3A, %sub3A : i32
    %select_n3A = arith.select %and3A, %sub3A_16, %div3A : i32
    %jit3A_17 = arith.constant 2 : i32
    %eq3A = arith.constant 0 : i32
    %eq3A_18 = arith.cmpi eq, %jit3A_17, %eq3A : i32
    %jit3A_19 = arith.constant 1 : i32
    %select_n3A_20 = arith.select %eq3A_18, %jit3A_19, %jit3A_17 : i32
    %rem3A_21 = arith.remsi %add3A, %select_n3A_20 : i32
    %ne3A_22 = arith.constant 0 : i32
    %ne3A_23 = arith.cmpi ne, %rem3A_21, %ne3A_22 : i32
    %lt3A = arith.constant 0 : i32
    %lt3A_24 = arith.cmpi slt, %rem3A_21, %lt3A : i32
    %lt3A_25 = arith.constant 0 : i32
    %lt3A_26 = arith.cmpi slt, %select_n3A_20, %lt3A_25 : i32
    %ne3A_27 = arith.xori %lt3A_24, %lt3A_26 : i1
    %and3A_28 = arith.andi %ne3A_27, %ne3A_23 : i1
    %add3A_29 = arith.addi %rem3A_21, %select_n3A_20 : i32
    %select_n3A_30 = arith.select %and3A_28, %add3A_29, %rem3A_21 : i32
    %mul3A_31 = arith.constant 1024 : i32
    %mul3A_32 = arith.muli %select_n3A_30, %mul3A_31 : i32
    "tpu.region"() ({
      %run_scoped3A = tpu.sem_alloc : memref<!tpu.dma_semaphore, #tpu.memory_space<semaphore_mem>>
      tpu.enqueue_dma source(%arg2 : memref<2048xi32, #tpu.memory_space<hbm>>) target(%arg5 : memref<2048xi32, #tpu.memory_space<vmem>>) target_semaphore(%run_scoped3A : memref<!tpu.dma_semaphore, #tpu.memory_space<semaphore_mem>>)
      tpu.wait_dma2 semaphore(%run_scoped3A : memref<!tpu.dma_semaphore, #tpu.memory_space<semaphore_mem>>) src(%arg2 : memref<2048xi32, #tpu.memory_space<hbm>>) dst(%arg5 : memref<2048xi32, #tpu.memory_space<vmem>>)
      tpu.yield
    }) : () -> ()
    "tpu.region"() ({
      %run_scoped3A = tpu.sem_alloc : memref<!tpu.dma_semaphore, #tpu.memory_space<semaphore_mem>>
      tpu.enqueue_dma source(%arg3 : memref<304xf32, #tpu.memory_space<hbm>>) target(%arg6 : memref<304xf32, #tpu.memory_space<vmem>>) target_semaphore(%run_scoped3A : memref<!tpu.dma_semaphore, #tpu.memory_space<semaphore_mem>>)
      tpu.wait_dma2 semaphore(%run_scoped3A : memref<!tpu.dma_semaphore, #tpu.memory_space<semaphore_mem>>) src(%arg3 : memref<304xf32, #tpu.memory_space<hbm>>) dst(%arg6 : memref<304xf32, #tpu.memory_space<vmem>>)
      tpu.yield
    }) : () -> ()
    %mul3A_33 = arith.constant 19 : i32
    %mul3A_34 = arith.muli %select_n3A, %mul3A_33 : i32
    %scan3A = arith.constant 0 : i32
    %scan3A_35 = arith.constant 0 : i32
    %scan3A_36 = arith.constant 128 : i32
    %scan3A_37 = arith.addi %scan3A_35, %scan3A_36 : i32
    %scan3A_38 = arith.constant 1 : i32
    scf.for %scan3A_46 = %scan3A_35 to %scan3A_37 step %scan3A_38  : i32 {
      %mul3A_47 = arith.constant 16 : i32
      %mul3A_48 = arith.muli %scan3A_46, %mul3A_47 : i32
      %get3A = arith.index_cast %mul3A_48 : i32 to index
      %get3A_49 = tpu.vector_load %arg5[%get3A] {strides = array<i32>} : memref<2048xi32, #tpu.memory_space<vmem>>, vector<16xi32>,
      %add3A_50 = arith.constant 0 : i32
      %add3A_51 = arith.addi %mul3A_34, %add3A_50 : i32
      %add3A_52 = arith.constant 9 : i32
      %add3A_53 = arith.addi %add3A_51, %add3A_52 : i32
      %sub3A_54 = vector.broadcast %add3A_53 : i32 to vector<16xi32>
      %sub3A_55 = arith.subi %sub3A_54, %get3A_49 : vector<16xi32>
      %gather3A = tpu.vector_load_idx %arg6[%sub3A_55] : memref<304xf32, #tpu.memory_space<vmem>>[vector<16xi32>], vector<16xf32>,
      %mul3A_56 = arith.constant 16 : i32
      %mul3A_57 = arith.muli %scan3A_46, %mul3A_56 : i32
      %swap3A = arith.constant 0 : i32
      %swap3A_58 = arith.index_cast %swap3A : i32 to index
      %swap3A_59 = arith.index_cast %mul3A_57 : i32 to index
      %swap3A_60 = tpu.vector_load %arg7[%swap3A_58, %swap3A_59] {strides = array<i32>} : memref<10x2048xf32, #tpu.memory_space<vmem>>, vector<16xf32>,
      tpu.vector_store %arg7[%swap3A_58, %swap3A_59], %gather3A {strides = array<i32>} : memref<10x2048xf32, #tpu.memory_space<vmem>>, vector<16xf32>,
      %add3A_61 = arith.constant 1 : i32
      %add3A_62 = arith.addi %mul3A_34, %add3A_61 : i32
      %add3A_63 = arith.constant 9 : i32
      %add3A_64 = arith.addi %add3A_62, %add3A_63 : i32
      %sub3A_65 = vector.broadcast %add3A_64 : i32 to vector<16xi32>
      %sub3A_66 = arith.subi %sub3A_65, %get3A_49 : vector<16xi32>
      %gather3A_67 = tpu.vector_load_idx %arg6[%sub3A_66] : memref<304xf32, #tpu.memory_space<vmem>>[vector<16xi32>], vector<16xf32>,
      %mul3A_68 = arith.constant 16 : i32
      %mul3A_69 = arith.muli %scan3A_46, %mul3A_68 : i32
      %swap3A_70 = arith.constant 1 : i32
      %swap3A_71 = arith.index_cast %swap3A_70 : i32 to index
      %swap3A_72 = arith.index_cast %mul3A_69 : i32 to index
      %swap3A_73 = tpu.vector_load %arg7[%swap3A_71, %swap3A_72] {strides = array<i32>} : memref<10x2048xf32, #tpu.memory_space<vmem>>, vector<16xf32>,
      tpu.vector_store %arg7[%swap3A_71, %swap3A_72], %gather3A_67 {strides = array<i32>} : memref<10x2048xf32, #tpu.memory_space<vmem>>, vector<16xf32>,
      %add3A_74 = arith.constant 2 : i32
      %add3A_75 = arith.addi %mul3A_34, %add3A_74 : i32
      %add3A_76 = arith.constant 9 : i32
      %add3A_77 = arith.addi %add3A_75, %add3A_76 : i32
      %sub3A_78 = vector.broadcast %add3A_77 : i32 to vector<16xi32>
      %sub3A_79 = arith.subi %sub3A_78, %get3A_49 : vector<16xi32>
      %gather3A_80 = tpu.vector_load_idx %arg6[%sub3A_79] : memref<304xf32, #tpu.memory_space<vmem>>[vector<16xi32>], vector<16xf32>,
      %mul3A_81 = arith.constant 16 : i32
      %mul3A_82 = arith.muli %scan3A_46, %mul3A_81 : i32
      %swap3A_83 = arith.constant 2 : i32
      %swap3A_84 = arith.index_cast %swap3A_83 : i32 to index
      %swap3A_85 = arith.index_cast %mul3A_82 : i32 to index
      %swap3A_86 = tpu.vector_load %arg7[%swap3A_84, %swap3A_85] {strides = array<i32>} : memref<10x2048xf32, #tpu.memory_space<vmem>>, vector<16xf32>,
      tpu.vector_store %arg7[%swap3A_84, %swap3A_85], %gather3A_80 {strides = array<i32>} : memref<10x2048xf32, #tpu.memory_space<vmem>>, vector<16xf32>,
      %add3A_87 = arith.constant 3 : i32
      %add3A_88 = arith.addi %mul3A_34, %add3A_87 : i32
      %add3A_89 = arith.constant 9 : i32
      %add3A_90 = arith.addi %add3A_88, %add3A_89 : i32
      %sub3A_91 = vector.broadcast %add3A_90 : i32 to vector<16xi32>
      %sub3A_92 = arith.subi %sub3A_91, %get3A_49 : vector<16xi32>
      %gather3A_93 = tpu.vector_load_idx %arg6[%sub3A_92] : memref<304xf32, #tpu.memory_space<vmem>>[vector<16xi32>], vector<16xf32>,
      %mul3A_94 = arith.constant 16 : i32
      %mul3A_95 = arith.muli %scan3A_46, %mul3A_94 : i32
      %swap3A_96 = arith.constant 3 : i32
      %swap3A_97 = arith.index_cast %swap3A_96 : i32 to index
      %swap3A_98 = arith.index_cast %mul3A_95 : i32 to index
      %swap3A_99 = tpu.vector_load %arg7[%swap3A_97, %swap3A_98] {strides = array<i32>} : memref<10x2048xf32, #tpu.memory_space<vmem>>, vector<16xf32>,
      tpu.vector_store %arg7[%swap3A_97, %swap3A_98], %gather3A_93 {strides = array<i32>} : memref<10x2048xf32, #tpu.memory_space<vmem>>, vector<16xf32>,
      %add3A_100 = arith.constant 4 : i32
      %add3A_101 = arith.addi %mul3A_34, %add3A_100 : i32
      %add3A_102 = arith.constant 9 : i32
      %add3A_103 = arith.addi %add3A_101, %add3A_102 : i32
      %sub3A_104 = vector.broadcast %add3A_103 : i32 to vector<16xi32>
      %sub3A_105 = arith.subi %sub3A_104, %get3A_49 : vector<16xi32>
      %gather3A_106 = tpu.vector_load_idx %arg6[%sub3A_105] : memref<304xf32, #tpu.memory_space<vmem>>[vector<16xi32>], vector<16xf32>,
      %mul3A_107 = arith.constant 16 : i32
      %mul3A_108 = arith.muli %scan3A_46, %mul3A_107 : i32
      %swap3A_109 = arith.constant 4 : i32
      %swap3A_110 = arith.index_cast %swap3A_109 : i32 to index
      %swap3A_111 = arith.index_cast %mul3A_108 : i32 to index
      %swap3A_112 = tpu.vector_load %arg7[%swap3A_110, %swap3A_111] {strides = array<i32>} : memref<10x2048xf32, #tpu.memory_space<vmem>>, vector<16xf32>,
      tpu.vector_store %arg7[%swap3A_110, %swap3A_111], %gather3A_106 {strides = array<i32>} : memref<10x2048xf32, #tpu.memory_space<vmem>>, vector<16xf32>,
      %add3A_113 = arith.constant 5 : i32
      %add3A_114 = arith.addi %mul3A_34, %add3A_113 : i32
      %add3A_115 = arith.constant 9 : i32
      %add3A_116 = arith.addi %add3A_114, %add3A_115 : i32
      %sub3A_117 = vector.broadcast %add3A_116 : i32 to vector<16xi32>
      %sub3A_118 = arith.subi %sub3A_117, %get3A_49 : vector<16xi32>
      %gather3A_119 = tpu.vector_load_idx %arg6[%sub3A_118] : memref<304xf32, #tpu.memory_space<vmem>>[vector<16xi32>], vector<16xf32>,
      %mul3A_120 = arith.constant 16 : i32
      %mul3A_121 = arith.muli %scan3A_46, %mul3A_120 : i32
      %swap3A_122 = arith.constant 5 : i32
      %swap3A_123 = arith.index_cast %swap3A_122 : i32 to index
      %swap3A_124 = arith.index_cast %mul3A_121 : i32 to index
      %swap3A_125 = tpu.vector_load %arg7[%swap3A_123, %swap3A_124] {strides = array<i32>} : memref<10x2048xf32, #tpu.memory_space<vmem>>, vector<16xf32>,
      tpu.vector_store %arg7[%swap3A_123, %swap3A_124], %gather3A_119 {strides = array<i32>} : memref<10x2048xf32, #tpu.memory_space<vmem>>, vector<16xf32>,
      %add3A_126 = arith.constant 6 : i32
      %add3A_127 = arith.addi %mul3A_34, %add3A_126 : i32
      %add3A_128 = arith.constant 9 : i32
      %add3A_129 = arith.addi %add3A_127, %add3A_128 : i32
      %sub3A_130 = vector.broadcast %add3A_129 : i32 to vector<16xi32>
      %sub3A_131 = arith.subi %sub3A_130, %get3A_49 : vector<16xi32>
      %gather3A_132 = tpu.vector_load_idx %arg6[%sub3A_131] : memref<304xf32, #tpu.memory_space<vmem>>[vector<16xi32>], vector<16xf32>,
      %mul3A_133 = arith.constant 16 : i32
      %mul3A_134 = arith.muli %scan3A_46, %mul3A_133 : i32
      %swap3A_135 = arith.constant 6 : i32
      %swap3A_136 = arith.index_cast %swap3A_135 : i32 to index
      %swap3A_137 = arith.index_cast %mul3A_134 : i32 to index
      %swap3A_138 = tpu.vector_load %arg7[%swap3A_136, %swap3A_137] {strides = array<i32>} : memref<10x2048xf32, #tpu.memory_space<vmem>>, vector<16xf32>,
      tpu.vector_store %arg7[%swap3A_136, %swap3A_137], %gather3A_132 {strides = array<i32>} : memref<10x2048xf32, #tpu.memory_space<vmem>>, vector<16xf32>,
      %add3A_139 = arith.constant 7 : i32
      %add3A_140 = arith.addi %mul3A_34, %add3A_139 : i32
      %add3A_141 = arith.constant 9 : i32
      %add3A_142 = arith.addi %add3A_140, %add3A_141 : i32
      %sub3A_143 = vector.broadcast %add3A_142 : i32 to vector<16xi32>
      %sub3A_144 = arith.subi %sub3A_143, %get3A_49 : vector<16xi32>
      %gather3A_145 = tpu.vector_load_idx %arg6[%sub3A_144] : memref<304xf32, #tpu.memory_space<vmem>>[vector<16xi32>], vector<16xf32>,
      %mul3A_146 = arith.constant 16 : i32
      %mul3A_147 = arith.muli %scan3A_46, %mul3A_146 : i32
      %swap3A_148 = arith.constant 7 : i32
      %swap3A_149 = arith.index_cast %swap3A_148 : i32 to index
      %swap3A_150 = arith.index_cast %mul3A_147 : i32 to index
      %swap3A_151 = tpu.vector_load %arg7[%swap3A_149, %swap3A_150] {strides = array<i32>} : memref<10x2048xf32, #tpu.memory_space<vmem>>, vector<16xf32>,
      tpu.vector_store %arg7[%swap3A_149, %swap3A_150], %gather3A_145 {strides = array<i32>} : memref<10x2048xf32, #tpu.memory_space<vmem>>, vector<16xf32>,
      %add3A_152 = arith.constant 8 : i32
      %add3A_153 = arith.addi %mul3A_34, %add3A_152 : i32
      %add3A_154 = arith.constant 9 : i32
      %add3A_155 = arith.addi %add3A_153, %add3A_154 : i32
      %sub3A_156 = vector.broadcast %add3A_155 : i32 to vector<16xi32>
      %sub3A_157 = arith.subi %sub3A_156, %get3A_49 : vector<16xi32>
      %gather3A_158 = tpu.vector_load_idx %arg6[%sub3A_157] : memref<304xf32, #tpu.memory_space<vmem>>[vector<16xi32>], vector<16xf32>,
      %mul3A_159 = arith.constant 16 : i32
      %mul3A_160 = arith.muli %scan3A_46, %mul3A_159 : i32
      %swap3A_161 = arith.constant 8 : i32
      %swap3A_162 = arith.index_cast %swap3A_161 : i32 to index
      %swap3A_163 = arith.index_cast %mul3A_160 : i32 to index
      %swap3A_164 = tpu.vector_load %arg7[%swap3A_162, %swap3A_163] {strides = array<i32>} : memref<10x2048xf32, #tpu.memory_space<vmem>>, vector<16xf32>,
      tpu.vector_store %arg7[%swap3A_162, %swap3A_163], %gather3A_158 {strides = array<i32>} : memref<10x2048xf32, #tpu.memory_space<vmem>>, vector<16xf32>,
      %add3A_165 = arith.constant 9 : i32
      %add3A_166 = arith.addi %mul3A_34, %add3A_165 : i32
      %add3A_167 = arith.constant 9 : i32
      %add3A_168 = arith.addi %add3A_166, %add3A_167 : i32
      %sub3A_169 = vector.broadcast %add3A_168 : i32 to vector<16xi32>
      %sub3A_170 = arith.subi %sub3A_169, %get3A_49 : vector<16xi32>
      %gather3A_171 = tpu.vector_load_idx %arg6[%sub3A_170] : memref<304xf32, #tpu.memory_space<vmem>>[vector<16xi32>], vector<16xf32>,
      %mul3A_172 = arith.constant 16 : i32
      %mul3A_173 = arith.muli %scan3A_46, %mul3A_172 : i32
      %swap3A_174 = arith.constant 9 : i32
      %swap3A_175 = arith.index_cast %swap3A_174 : i32 to index
      %swap3A_176 = arith.index_cast %mul3A_173 : i32 to index
      %swap3A_177 = tpu.vector_load %arg7[%swap3A_175, %swap3A_176] {strides = array<i32>} : memref<10x2048xf32, #tpu.memory_space<vmem>>, vector<16xf32>,
      tpu.vector_store %arg7[%swap3A_175, %swap3A_176], %gather3A_171 {strides = array<i32>} : memref<10x2048xf32, #tpu.memory_space<vmem>>, vector<16xf32>,
    }
    %scan3A_39 = arith.constant 128 : i32
    %scan3A_40 = arith.constant 0 : i32
    %scan3A_41 = arith.constant 0 : i32
    %scan3A_42 = arith.constant 64 : i32
    %scan3A_43 = arith.addi %scan3A_41, %scan3A_42 : i32
    %scan3A_44 = arith.constant 1 : i32
    scf.for %scan3A_46 = %scan3A_41 to %scan3A_43 step %scan3A_44  : i32 {
      %mul3A_47 = arith.constant 16 : i32
      %mul3A_48 = arith.muli %scan3A_46, %mul3A_47 : i32
      %add3A_49 = arith.addi %mul3A_32, %mul3A_48 : i32
      %add3A_50 = arith.constant 0 : i32
      %add3A_51 = arith.addi %add3A_49, %add3A_50 : i32
      %get3A = arith.index_cast %add3A_51 : i32 to index
      %get3A_52 = tpu.vector_load %arg5[%get3A] {strides = array<i32>} : memref<2048xi32, #tpu.memory_space<vmem>>, vector<16xi32>,
      %slice3A = vector.extract_strided_slice %get3A_52 {offsets = [0], sizes = [1], strides = [1]} : vector<16xi32> to vector<1xi32>
      %squeeze3A = vector.extract %slice3A[0] : i32 from vector<1xi32>
      %add3A_53 = arith.constant 0 : i32
      %add3A_54 = arith.addi %add3A_51, %add3A_53 : i32
      %dma_start3A = arith.constant 0 : i32
      %dma_start3A_55 = tpu.memref_slice %arg7[%squeeze3A, %dma_start3A] : memref<10x2048xf32, #tpu.memory_space<vmem>> -> memref<1x2048xf32, #tpu.memory_space<vmem>>
      %dma_start3A_56 = tpu.memref_squeeze %dma_start3A_55 : memref<1x2048xf32, #tpu.memory_space<vmem>> -> memref<2048xf32, #tpu.memory_space<vmem>>
      %dma_start3A_57 = arith.constant 0 : i32
      %dma_start3A_58 = tpu.memref_slice %arg4[%select_n3A, %add3A_54, %dma_start3A_57] : memref<16x2048x2048xf32, #tpu.memory_space<hbm>> -> memref<1x1x2048xf32, #tpu.memory_space<hbm>>
      %dma_start3A_59 = tpu.memref_squeeze %dma_start3A_58 : memref<1x1x2048xf32, #tpu.memory_space<hbm>> -> memref<2048xf32, #tpu.memory_space<hbm>>
      %dma_start3A_60 = arith.constant 0 : i32
      %dma_start3A_61 = tpu.memref_slice %arg4[%select_n3A, %add3A_54, %dma_start3A_60] : memref<16x2048x2048xf32, #tpu.memory_space<hbm>> -> memref<1x1x2048xf32, #tpu.memory_space<hbm>>
      %dma_start3A_62 = tpu.memref_squeeze %dma_start3A_61 : memref<1x1x2048xf32, #tpu.memory_space<hbm>> -> memref<2048xf32, #tpu.memory_space<hbm>>
      %dma_start3A_63 = arith.constant 0 : i32
      %dma_start3A_64 = tpu.memref_slice %arg7[%squeeze3A, %dma_start3A_63] : memref<10x2048xf32, #tpu.memory_space<vmem>> -> memref<1x2048xf32, #tpu.memory_space<vmem>>
      %dma_start3A_65 = tpu.memref_squeeze %dma_start3A_64 : memref<1x2048xf32, #tpu.memory_space<vmem>> -> memref<2048xf32, #tpu.memory_space<vmem>>
      tpu.enqueue_dma source(%dma_start3A_65 : memref<2048xf32, #tpu.memory_space<vmem>>) target(%dma_start3A_62 : memref<2048xf32, #tpu.memory_space<hbm>>) target_semaphore(%arg8 : memref<!tpu.dma_semaphore, #tpu.memory_space<semaphore_mem>>)
      %slice3A_66 = vector.extract_strided_slice %get3A_52 {offsets = [1], sizes = [1], strides = [1]} : vector<16xi32> to vector<1xi32>
      %squeeze3A_67 = vector.extract %slice3A_66[0] : i32 from vector<1xi32>
      %add3A_68 = arith.constant 1 : i32
      %add3A_69 = arith.addi %add3A_51, %add3A_68 : i32
      %dma_start3A_70 = arith.constant 0 : i32
      %dma_start3A_71 = tpu.memref_slice %arg7[%squeeze3A_67, %dma_start3A_70] : memref<10x2048xf32, #tpu.memory_space<vmem>> -> memref<1x2048xf32, #tpu.memory_space<vmem>>
      %dma_start3A_72 = tpu.memref_squeeze %dma_start3A_71 : memref<1x2048xf32, #tpu.memory_space<vmem>> -> memref<2048xf32, #tpu.memory_space<vmem>>
      %dma_start3A_73 = arith.constant 0 : i32
      %dma_start3A_74 = tpu.memref_slice %arg4[%select_n3A, %add3A_69, %dma_start3A_73] : memref<16x2048x2048xf32, #tpu.memory_space<hbm>> -> memref<1x1x2048xf32, #tpu.memory_space<hbm>>
      %dma_start3A_75 = tpu.memref_squeeze %dma_start3A_74 : memref<1x1x2048xf32, #tpu.memory_space<hbm>> -> memref<2048xf32, #tpu.memory_space<hbm>>
      %dma_start3A_76 = arith.constant 0 : i32
      %dma_start3A_77 = tpu.memref_slice %arg4[%select_n3A, %add3A_69, %dma_start3A_76] : memref<16x2048x2048xf32, #tpu.memory_space<hbm>> -> memref<1x1x2048xf32, #tpu.memory_space<hbm>>
      %dma_start3A_78 = tpu.memref_squeeze %dma_start3A_77 : memref<1x1x2048xf32, #tpu.memory_space<hbm>> -> memref<2048xf32, #tpu.memory_space<hbm>>
      %dma_start3A_79 = arith.constant 0 : i32
      %dma_start3A_80 = tpu.memref_slice %arg7[%squeeze3A_67, %dma_start3A_79] : memref<10x2048xf32, #tpu.memory_space<vmem>> -> memref<1x2048xf32, #tpu.memory_space<vmem>>
      %dma_start3A_81 = tpu.memref_squeeze %dma_start3A_80 : memref<1x2048xf32, #tpu.memory_space<vmem>> -> memref<2048xf32, #tpu.memory_space<vmem>>
      tpu.enqueue_dma source(%dma_start3A_81 : memref<2048xf32, #tpu.memory_space<vmem>>) target(%dma_start3A_78 : memref<2048xf32, #tpu.memory_space<hbm>>) target_semaphore(%arg8 : memref<!tpu.dma_semaphore, #tpu.memory_space<semaphore_mem>>)
      %slice3A_82 = vector.extract_strided_slice %get3A_52 {offsets = [2], sizes = [1], strides = [1]} : vector<16xi32> to vector<1xi32>
      %squeeze3A_83 = vector.extract %slice3A_82[0] : i32 from vector<1xi32>
      %add3A_84 = arith.constant 2 : i32
      %add3A_85 = arith.addi %add3A_51, %add3A_84 : i32
      %dma_start3A_86 = arith.constant 0 : i32
      %dma_start3A_87 = tpu.memref_slice %arg7[%squeeze3A_83, %dma_start3A_86] : memref<10x2048xf32, #tpu.memory_space<vmem>> -> memref<1x2048xf32, #tpu.memory_space<vmem>>
      %dma_start3A_88 = tpu.memref_squeeze %dma_start3A_87 : memref<1x2048xf32, #tpu.memory_space<vmem>> -> memref<2048xf32, #tpu.memory_space<vmem>>
      %dma_start3A_89 = arith.constant 0 : i32
      %dma_start3A_90 = tpu.memref_slice %arg4[%select_n3A, %add3A_85, %dma_start3A_89] : memref<16x2048x2048xf32, #tpu.memory_space<hbm>> -> memref<1x1x2048xf32, #tpu.memory_space<hbm>>
      %dma_start3A_91 = tpu.memref_squeeze %dma_start3A_90 : memref<1x1x2048xf32, #tpu.memory_space<hbm>> -> memref<2048xf32, #tpu.memory_space<hbm>>
      %dma_start3A_92 = arith.constant 0 : i32
      %dma_start3A_93 = tpu.memref_slice %arg4[%select_n3A, %add3A_85, %dma_start3A_92] : memref<16x2048x2048xf32, #tpu.memory_space<hbm>> -> memref<1x1x2048xf32, #tpu.memory_space<hbm>>
      %dma_start3A_94 = tpu.memref_squeeze %dma_start3A_93 : memref<1x1x2048xf32, #tpu.memory_space<hbm>> -> memref<2048xf32, #tpu.memory_space<hbm>>
      %dma_start3A_95 = arith.constant 0 : i32
      %dma_start3A_96 = tpu.memref_slice %arg7[%squeeze3A_83, %dma_start3A_95] : memref<10x2048xf32, #tpu.memory_space<vmem>> -> memref<1x2048xf32, #tpu.memory_space<vmem>>
      %dma_start3A_97 = tpu.memref_squeeze %dma_start3A_96 : memref<1x2048xf32, #tpu.memory_space<vmem>> -> memref<2048xf32, #tpu.memory_space<vmem>>
      tpu.enqueue_dma source(%dma_start3A_97 : memref<2048xf32, #tpu.memory_space<vmem>>) target(%dma_start3A_94 : memref<2048xf32, #tpu.memory_space<hbm>>) target_semaphore(%arg8 : memref<!tpu.dma_semaphore, #tpu.memory_space<semaphore_mem>>)
      %slice3A_98 = vector.extract_strided_slice %get3A_52 {offsets = [3], sizes = [1], strides = [1]} : vector<16xi32> to vector<1xi32>
      %squeeze3A_99 = vector.extract %slice3A_98[0] : i32 from vector<1xi32>
      %add3A_100 = arith.constant 3 : i32
      %add3A_101 = arith.addi %add3A_51, %add3A_100 : i32
      %dma_start3A_102 = arith.constant 0 : i32
      %dma_start3A_103 = tpu.memref_slice %arg7[%squeeze3A_99, %dma_start3A_102] : memref<10x2048xf32, #tpu.memory_space<vmem>> -> memref<1x2048xf32, #tpu.memory_space<vmem>>
      %dma_start3A_104 = tpu.memref_squeeze %dma_start3A_103 : memref<1x2048xf32, #tpu.memory_space<vmem>> -> memref<2048xf32, #tpu.memory_space<vmem>>
      %dma_start3A_105 = arith.constant 0 : i32
      %dma_start3A_106 = tpu.memref_slice %arg4[%select_n3A, %add3A_101, %dma_start3A_105] : memref<16x2048x2048xf32, #tpu.memory_space<hbm>> -> memref<1x1x2048xf32, #tpu.memory_space<hbm>>
      %dma_start3A_107 = tpu.memref_squeeze %dma_start3A_106 : memref<1x1x2048xf32, #tpu.memory_space<hbm>> -> memref<2048xf32, #tpu.memory_space<hbm>>
      %dma_start3A_108 = arith.constant 0 : i32
      %dma_start3A_109 = tpu.memref_slice %arg4[%select_n3A, %add3A_101, %dma_start3A_108] : memref<16x2048x2048xf32, #tpu.memory_space<hbm>> -> memref<1x1x2048xf32, #tpu.memory_space<hbm>>
      %dma_start3A_110 = tpu.memref_squeeze %dma_start3A_109 : memref<1x1x2048xf32, #tpu.memory_space<hbm>> -> memref<2048xf32, #tpu.memory_space<hbm>>
      %dma_start3A_111 = arith.constant 0 : i32
      %dma_start3A_112 = tpu.memref_slice %arg7[%squeeze3A_99, %dma_start3A_111] : memref<10x2048xf32, #tpu.memory_space<vmem>> -> memref<1x2048xf32, #tpu.memory_space<vmem>>
      %dma_start3A_113 = tpu.memref_squeeze %dma_start3A_112 : memref<1x2048xf32, #tpu.memory_space<vmem>> -> memref<2048xf32, #tpu.memory_space<vmem>>
      tpu.enqueue_dma source(%dma_start3A_113 : memref<2048xf32, #tpu.memory_space<vmem>>) target(%dma_start3A_110 : memref<2048xf32, #tpu.memory_space<hbm>>) target_semaphore(%arg8 : memref<!tpu.dma_semaphore, #tpu.memory_space<semaphore_mem>>)
      %slice3A_114 = vector.extract_strided_slice %get3A_52 {offsets = [4], sizes = [1], strides = [1]} : vector<16xi32> to vector<1xi32>
      %squeeze3A_115 = vector.extract %slice3A_114[0] : i32 from vector<1xi32>
      %add3A_116 = arith.constant 4 : i32
      %add3A_117 = arith.addi %add3A_51, %add3A_116 : i32
      %dma_start3A_118 = arith.constant 0 : i32
      %dma_start3A_119 = tpu.memref_slice %arg7[%squeeze3A_115, %dma_start3A_118] : memref<10x2048xf32, #tpu.memory_space<vmem>> -> memref<1x2048xf32, #tpu.memory_space<vmem>>
      %dma_start3A_120 = tpu.memref_squeeze %dma_start3A_119 : memref<1x2048xf32, #tpu.memory_space<vmem>> -> memref<2048xf32, #tpu.memory_space<vmem>>
      %dma_start3A_121 = arith.constant 0 : i32
      %dma_start3A_122 = tpu.memref_slice %arg4[%select_n3A, %add3A_117, %dma_start3A_121] : memref<16x2048x2048xf32, #tpu.memory_space<hbm>> -> memref<1x1x2048xf32, #tpu.memory_space<hbm>>
      %dma_start3A_123 = tpu.memref_squeeze %dma_start3A_122 : memref<1x1x2048xf32, #tpu.memory_space<hbm>> -> memref<2048xf32, #tpu.memory_space<hbm>>
      %dma_start3A_124 = arith.constant 0 : i32
      %dma_start3A_125 = tpu.memref_slice %arg4[%select_n3A, %add3A_117, %dma_start3A_124] : memref<16x2048x2048xf32, #tpu.memory_space<hbm>> -> memref<1x1x2048xf32, #tpu.memory_space<hbm>>
      %dma_start3A_126 = tpu.memref_squeeze %dma_start3A_125 : memref<1x1x2048xf32, #tpu.memory_space<hbm>> -> memref<2048xf32, #tpu.memory_space<hbm>>
      %dma_start3A_127 = arith.constant 0 : i32
      %dma_start3A_128 = tpu.memref_slice %arg7[%squeeze3A_115, %dma_start3A_127] : memref<10x2048xf32, #tpu.memory_space<vmem>> -> memref<1x2048xf32, #tpu.memory_space<vmem>>
      %dma_start3A_129 = tpu.memref_squeeze %dma_start3A_128 : memref<1x2048xf32, #tpu.memory_space<vmem>> -> memref<2048xf32, #tpu.memory_space<vmem>>
      tpu.enqueue_dma source(%dma_start3A_129 : memref<2048xf32, #tpu.memory_space<vmem>>) target(%dma_start3A_126 : memref<2048xf32, #tpu.memory_space<hbm>>) target_semaphore(%arg8 : memref<!tpu.dma_semaphore, #tpu.memory_space<semaphore_mem>>)
      %slice3A_130 = vector.extract_strided_slice %get3A_52 {offsets = [5], sizes = [1], strides = [1]} : vector<16xi32> to vector<1xi32>
      %squeeze3A_131 = vector.extract %slice3A_130[0] : i32 from vector<1xi32>
      %add3A_132 = arith.constant 5 : i32
      %add3A_133 = arith.addi %add3A_51, %add3A_132 : i32
      %dma_start3A_134 = arith.constant 0 : i32
      %dma_start3A_135 = tpu.memref_slice %arg7[%squeeze3A_131, %dma_start3A_134] : memref<10x2048xf32, #tpu.memory_space<vmem>> -> memref<1x2048xf32, #tpu.memory_space<vmem>>
      %dma_start3A_136 = tpu.memref_squeeze %dma_start3A_135 : memref<1x2048xf32, #tpu.memory_space<vmem>> -> memref<2048xf32, #tpu.memory_space<vmem>>
      %dma_start3A_137 = arith.constant 0 : i32
      %dma_start3A_138 = tpu.memref_slice %arg4[%select_n3A, %add3A_133, %dma_start3A_137] : memref<16x2048x2048xf32, #tpu.memory_space<hbm>> -> memref<1x1x2048xf32, #tpu.memory_space<hbm>>
      %dma_start3A_139 = tpu.memref_squeeze %dma_start3A_138 : memref<1x1x2048xf32, #tpu.memory_space<hbm>> -> memref<2048xf32, #tpu.memory_space<hbm>>
      %dma_start3A_140 = arith.constant 0 : i32
      %dma_start3A_141 = tpu.memref_slice %arg4[%select_n3A, %add3A_133, %dma_start3A_140] : memref<16x2048x2048xf32, #tpu.memory_space<hbm>> -> memref<1x1x2048xf32, #tpu.memory_space<hbm>>
      %dma_start3A_142 = tpu.memref_squeeze %dma_start3A_141 : memref<1x1x2048xf32, #tpu.memory_space<hbm>> -> memref<2048xf32, #tpu.memory_space<hbm>>
      %dma_start3A_143 = arith.constant 0 : i32
      %dma_start3A_144 = tpu.memref_slice %arg7[%squeeze3A_131, %dma_start3A_143] : memref<10x2048xf32, #tpu.memory_space<vmem>> -> memref<1x2048xf32, #tpu.memory_space<vmem>>
      %dma_start3A_145 = tpu.memref_squeeze %dma_start3A_144 : memref<1x2048xf32, #tpu.memory_space<vmem>> -> memref<2048xf32, #tpu.memory_space<vmem>>
      tpu.enqueue_dma source(%dma_start3A_145 : memref<2048xf32, #tpu.memory_space<vmem>>) target(%dma_start3A_142 : memref<2048xf32, #tpu.memory_space<hbm>>) target_semaphore(%arg8 : memref<!tpu.dma_semaphore, #tpu.memory_space<semaphore_mem>>)
      %slice3A_146 = vector.extract_strided_slice %get3A_52 {offsets = [6], sizes = [1], strides = [1]} : vector<16xi32> to vector<1xi32>
      %squeeze3A_147 = vector.extract %slice3A_146[0] : i32 from vector<1xi32>
      %add3A_148 = arith.constant 6 : i32
      %add3A_149 = arith.addi %add3A_51, %add3A_148 : i32
      %dma_start3A_150 = arith.constant 0 : i32
      %dma_start3A_151 = tpu.memref_slice %arg7[%squeeze3A_147, %dma_start3A_150] : memref<10x2048xf32, #tpu.memory_space<vmem>> -> memref<1x2048xf32, #tpu.memory_space<vmem>>
      %dma_start3A_152 = tpu.memref_squeeze %dma_start3A_151 : memref<1x2048xf32, #tpu.memory_space<vmem>> -> memref<2048xf32, #tpu.memory_space<vmem>>
      %dma_start3A_153 = arith.constant 0 : i32
      %dma_start3A_154 = tpu.memref_slice %arg4[%select_n3A, %add3A_149, %dma_start3A_153] : memref<16x2048x2048xf32, #tpu.memory_space<hbm>> -> memref<1x1x2048xf32, #tpu.memory_space<hbm>>
      %dma_start3A_155 = tpu.memref_squeeze %dma_start3A_154 : memref<1x1x2048xf32, #tpu.memory_space<hbm>> -> memref<2048xf32, #tpu.memory_space<hbm>>
      %dma_start3A_156 = arith.constant 0 : i32
      %dma_start3A_157 = tpu.memref_slice %arg4[%select_n3A, %add3A_149, %dma_start3A_156] : memref<16x2048x2048xf32, #tpu.memory_space<hbm>> -> memref<1x1x2048xf32, #tpu.memory_space<hbm>>
      %dma_start3A_158 = tpu.memref_squeeze %dma_start3A_157 : memref<1x1x2048xf32, #tpu.memory_space<hbm>> -> memref<2048xf32, #tpu.memory_space<hbm>>
      %dma_start3A_159 = arith.constant 0 : i32
      %dma_start3A_160 = tpu.memref_slice %arg7[%squeeze3A_147, %dma_start3A_159] : memref<10x2048xf32, #tpu.memory_space<vmem>> -> memref<1x2048xf32, #tpu.memory_space<vmem>>
      %dma_start3A_161 = tpu.memref_squeeze %dma_start3A_160 : memref<1x2048xf32, #tpu.memory_space<vmem>> -> memref<2048xf32, #tpu.memory_space<vmem>>
      tpu.enqueue_dma source(%dma_start3A_161 : memref<2048xf32, #tpu.memory_space<vmem>>) target(%dma_start3A_158 : memref<2048xf32, #tpu.memory_space<hbm>>) target_semaphore(%arg8 : memref<!tpu.dma_semaphore, #tpu.memory_space<semaphore_mem>>)
      %slice3A_162 = vector.extract_strided_slice %get3A_52 {offsets = [7], sizes = [1], strides = [1]} : vector<16xi32> to vector<1xi32>
      %squeeze3A_163 = vector.extract %slice3A_162[0] : i32 from vector<1xi32>
      %add3A_164 = arith.constant 7 : i32
      %add3A_165 = arith.addi %add3A_51, %add3A_164 : i32
      %dma_start3A_166 = arith.constant 0 : i32
      %dma_start3A_167 = tpu.memref_slice %arg7[%squeeze3A_163, %dma_start3A_166] : memref<10x2048xf32, #tpu.memory_space<vmem>> -> memref<1x2048xf32, #tpu.memory_space<vmem>>
      %dma_start3A_168 = tpu.memref_squeeze %dma_start3A_167 : memref<1x2048xf32, #tpu.memory_space<vmem>> -> memref<2048xf32, #tpu.memory_space<vmem>>
      %dma_start3A_169 = arith.constant 0 : i32
      %dma_start3A_170 = tpu.memref_slice %arg4[%select_n3A, %add3A_165, %dma_start3A_169] : memref<16x2048x2048xf32, #tpu.memory_space<hbm>> -> memref<1x1x2048xf32, #tpu.memory_space<hbm>>
      %dma_start3A_171 = tpu.memref_squeeze %dma_start3A_170 : memref<1x1x2048xf32, #tpu.memory_space<hbm>> -> memref<2048xf32, #tpu.memory_space<hbm>>
      %dma_start3A_172 = arith.constant 0 : i32
      %dma_start3A_173 = tpu.memref_slice %arg4[%select_n3A, %add3A_165, %dma_start3A_172] : memref<16x2048x2048xf32, #tpu.memory_space<hbm>> -> memref<1x1x2048xf32, #tpu.memory_space<hbm>>
      %dma_start3A_174 = tpu.memref_squeeze %dma_start3A_173 : memref<1x1x2048xf32, #tpu.memory_space<hbm>> -> memref<2048xf32, #tpu.memory_space<hbm>>
      %dma_start3A_175 = arith.constant 0 : i32
      %dma_start3A_176 = tpu.memref_slice %arg7[%squeeze3A_163, %dma_start3A_175] : memref<10x2048xf32, #tpu.memory_space<vmem>> -> memref<1x2048xf32, #tpu.memory_space<vmem>>
      %dma_start3A_177 = tpu.memref_squeeze %dma_start3A_176 : memref<1x2048xf32, #tpu.memory_space<vmem>> -> memref<2048xf32, #tpu.memory_space<vmem>>
      tpu.enqueue_dma source(%dma_start3A_177 : memref<2048xf32, #tpu.memory_space<vmem>>) target(%dma_start3A_174 : memref<2048xf32, #tpu.memory_space<hbm>>) target_semaphore(%arg8 : memref<!tpu.dma_semaphore, #tpu.memory_space<semaphore_mem>>)
      %slice3A_178 = vector.extract_strided_slice %get3A_52 {offsets = [8], sizes = [1], strides = [1]} : vector<16xi32> to vector<1xi32>
      %squeeze3A_179 = vector.extract %slice3A_178[0] : i32 from vector<1xi32>
      %add3A_180 = arith.constant 8 : i32
      %add3A_181 = arith.addi %add3A_51, %add3A_180 : i32
      %dma_start3A_182 = arith.constant 0 : i32
      %dma_start3A_183 = tpu.memref_slice %arg7[%squeeze3A_179, %dma_start3A_182] : memref<10x2048xf32, #tpu.memory_space<vmem>> -> memref<1x2048xf32, #tpu.memory_space<vmem>>
      %dma_start3A_184 = tpu.memref_squeeze %dma_start3A_183 : memref<1x2048xf32, #tpu.memory_space<vmem>> -> memref<2048xf32, #tpu.memory_space<vmem>>
      %dma_start3A_185 = arith.constant 0 : i32
      %dma_start3A_186 = tpu.memref_slice %arg4[%select_n3A, %add3A_181, %dma_start3A_185] : memref<16x2048x2048xf32, #tpu.memory_space<hbm>> -> memref<1x1x2048xf32, #tpu.memory_space<hbm>>
      %dma_start3A_187 = tpu.memref_squeeze %dma_start3A_186 : memref<1x1x2048xf32, #tpu.memory_space<hbm>> -> memref<2048xf32, #tpu.memory_space<hbm>>
      %dma_start3A_188 = arith.constant 0 : i32
      %dma_start3A_189 = tpu.memref_slice %arg4[%select_n3A, %add3A_181, %dma_start3A_188] : memref<16x2048x2048xf32, #tpu.memory_space<hbm>> -> memref<1x1x2048xf32, #tpu.memory_space<hbm>>
      %dma_start3A_190 = tpu.memref_squeeze %dma_start3A_189 : memref<1x1x2048xf32, #tpu.memory_space<hbm>> -> memref<2048xf32, #tpu.memory_space<hbm>>
      %dma_start3A_191 = arith.constant 0 : i32
      %dma_start3A_192 = tpu.memref_slice %arg7[%squeeze3A_179, %dma_start3A_191] : memref<10x2048xf32, #tpu.memory_space<vmem>> -> memref<1x2048xf32, #tpu.memory_space<vmem>>
      %dma_start3A_193 = tpu.memref_squeeze %dma_start3A_192 : memref<1x2048xf32, #tpu.memory_space<vmem>> -> memref<2048xf32, #tpu.memory_space<vmem>>
      tpu.enqueue_dma source(%dma_start3A_193 : memref<2048xf32, #tpu.memory_space<vmem>>) target(%dma_start3A_190 : memref<2048xf32, #tpu.memory_space<hbm>>) target_semaphore(%arg8 : memref<!tpu.dma_semaphore, #tpu.memory_space<semaphore_mem>>)
      %slice3A_194 = vector.extract_strided_slice %get3A_52 {offsets = [9], sizes = [1], strides = [1]} : vector<16xi32> to vector<1xi32>
      %squeeze3A_195 = vector.extract %slice3A_194[0] : i32 from vector<1xi32>
      %add3A_196 = arith.constant 9 : i32
      %add3A_197 = arith.addi %add3A_51, %add3A_196 : i32
      %dma_start3A_198 = arith.constant 0 : i32
      %dma_start3A_199 = tpu.memref_slice %arg7[%squeeze3A_195, %dma_start3A_198] : memref<10x2048xf32, #tpu.memory_space<vmem>> -> memref<1x2048xf32, #tpu.memory_space<vmem>>
      %dma_start3A_200 = tpu.memref_squeeze %dma_start3A_199 : memref<1x2048xf32, #tpu.memory_space<vmem>> -> memref<2048xf32, #tpu.memory_space<vmem>>
      %dma_start3A_201 = arith.constant 0 : i32
      %dma_start3A_202 = tpu.memref_slice %arg4[%select_n3A, %add3A_197, %dma_start3A_201] : memref<16x2048x2048xf32, #tpu.memory_space<hbm>> -> memref<1x1x2048xf32, #tpu.memory_space<hbm>>
      %dma_start3A_203 = tpu.memref_squeeze %dma_start3A_202 : memref<1x1x2048xf32, #tpu.memory_space<hbm>> -> memref<2048xf32, #tpu.memory_space<hbm>>
      %dma_start3A_204 = arith.constant 0 : i32
      %dma_start3A_205 = tpu.memref_slice %arg4[%select_n3A, %add3A_197, %dma_start3A_204] : memref<16x2048x2048xf32, #tpu.memory_space<hbm>> -> memref<1x1x2048xf32, #tpu.memory_space<hbm>>
      %dma_start3A_206 = tpu.memref_squeeze %dma_start3A_205 : memref<1x1x2048xf32, #tpu.memory_space<hbm>> -> memref<2048xf32, #tpu.memory_space<hbm>>
      %dma_start3A_207 = arith.constant 0 : i32
      %dma_start3A_208 = tpu.memref_slice %arg7[%squeeze3A_195, %dma_start3A_207] : memref<10x2048xf32, #tpu.memory_space<vmem>> -> memref<1x2048xf32, #tpu.memory_space<vmem>>
      %dma_start3A_209 = tpu.memref_squeeze %dma_start3A_208 : memref<1x2048xf32, #tpu.memory_space<vmem>> -> memref<2048xf32, #tpu.memory_space<vmem>>
      tpu.enqueue_dma source(%dma_start3A_209 : memref<2048xf32, #tpu.memory_space<vmem>>) target(%dma_start3A_206 : memref<2048xf32, #tpu.memory_space<hbm>>) target_semaphore(%arg8 : memref<!tpu.dma_semaphore, #tpu.memory_space<semaphore_mem>>)
      %slice3A_210 = vector.extract_strided_slice %get3A_52 {offsets = [10], sizes = [1], strides = [1]} : vector<16xi32> to vector<1xi32>
      %squeeze3A_211 = vector.extract %slice3A_210[0] : i32 from vector<1xi32>
      %add3A_212 = arith.constant 10 : i32
      %add3A_213 = arith.addi %add3A_51, %add3A_212 : i32
      %dma_start3A_214 = arith.constant 0 : i32
      %dma_start3A_215 = tpu.memref_slice %arg7[%squeeze3A_211, %dma_start3A_214] : memref<10x2048xf32, #tpu.memory_space<vmem>> -> memref<1x2048xf32, #tpu.memory_space<vmem>>
      %dma_start3A_216 = tpu.memref_squeeze %dma_start3A_215 : memref<1x2048xf32, #tpu.memory_space<vmem>> -> memref<2048xf32, #tpu.memory_space<vmem>>
      %dma_start3A_217 = arith.constant 0 : i32
      %dma_start3A_218 = tpu.memref_slice %arg4[%select_n3A, %add3A_213, %dma_start3A_217] : memref<16x2048x2048xf32, #tpu.memory_space<hbm>> -> memref<1x1x2048xf32, #tpu.memory_space<hbm>>
      %dma_start3A_219 = tpu.memref_squeeze %dma_start3A_218 : memref<1x1x2048xf32, #tpu.memory_space<hbm>> -> memref<2048xf32, #tpu.memory_space<hbm>>
      %dma_start3A_220 = arith.constant 0 : i32
      %dma_start3A_221 = tpu.memref_slice %arg4[%select_n3A, %add3A_213, %dma_start3A_220] : memref<16x2048x2048xf32, #tpu.memory_space<hbm>> -> memref<1x1x2048xf32, #tpu.memory_space<hbm>>
      %dma_start3A_222 = tpu.memref_squeeze %dma_start3A_221 : memref<1x1x2048xf32, #tpu.memory_space<hbm>> -> memref<2048xf32, #tpu.memory_space<hbm>>
      %dma_start3A_223 = arith.constant 0 : i32
      %dma_start3A_224 = tpu.memref_slice %arg7[%squeeze3A_211, %dma_start3A_223] : memref<10x2048xf32, #tpu.memory_space<vmem>> -> memref<1x2048xf32, #tpu.memory_space<vmem>>
      %dma_start3A_225 = tpu.memref_squeeze %dma_start3A_224 : memref<1x2048xf32, #tpu.memory_space<vmem>> -> memref<2048xf32, #tpu.memory_space<vmem>>
      tpu.enqueue_dma source(%dma_start3A_225 : memref<2048xf32, #tpu.memory_space<vmem>>) target(%dma_start3A_222 : memref<2048xf32, #tpu.memory_space<hbm>>) target_semaphore(%arg8 : memref<!tpu.dma_semaphore, #tpu.memory_space<semaphore_mem>>)
      %slice3A_226 = vector.extract_strided_slice %get3A_52 {offsets = [11], sizes = [1], strides = [1]} : vector<16xi32> to vector<1xi32>
      %squeeze3A_227 = vector.extract %slice3A_226[0] : i32 from vector<1xi32>
      %add3A_228 = arith.constant 11 : i32
      %add3A_229 = arith.addi %add3A_51, %add3A_228 : i32
      %dma_start3A_230 = arith.constant 0 : i32
      %dma_start3A_231 = tpu.memref_slice %arg7[%squeeze3A_227, %dma_start3A_230] : memref<10x2048xf32, #tpu.memory_space<vmem>> -> memref<1x2048xf32, #tpu.memory_space<vmem>>
      %dma_start3A_232 = tpu.memref_squeeze %dma_start3A_231 : memref<1x2048xf32, #tpu.memory_space<vmem>> -> memref<2048xf32, #tpu.memory_space<vmem>>
      %dma_start3A_233 = arith.constant 0 : i32
      %dma_start3A_234 = tpu.memref_slice %arg4[%select_n3A, %add3A_229, %dma_start3A_233] : memref<16x2048x2048xf32, #tpu.memory_space<hbm>> -> memref<1x1x2048xf32, #tpu.memory_space<hbm>>
      %dma_start3A_235 = tpu.memref_squeeze %dma_start3A_234 : memref<1x1x2048xf32, #tpu.memory_space<hbm>> -> memref<2048xf32, #tpu.memory_space<hbm>>
      %dma_start3A_236 = arith.constant 0 : i32
      %dma_start3A_237 = tpu.memref_slice %arg4[%select_n3A, %add3A_229, %dma_start3A_236] : memref<16x2048x2048xf32, #tpu.memory_space<hbm>> -> memref<1x1x2048xf32, #tpu.memory_space<hbm>>
      %dma_start3A_238 = tpu.memref_squeeze %dma_start3A_237 : memref<1x1x2048xf32, #tpu.memory_space<hbm>> -> memref<2048xf32, #tpu.memory_space<hbm>>
      %dma_start3A_239 = arith.constant 0 : i32
      %dma_start3A_240 = tpu.memref_slice %arg7[%squeeze3A_227, %dma_start3A_239] : memref<10x2048xf32, #tpu.memory_space<vmem>> -> memref<1x2048xf32, #tpu.memory_space<vmem>>
      %dma_start3A_241 = tpu.memref_squeeze %dma_start3A_240 : memref<1x2048xf32, #tpu.memory_space<vmem>> -> memref<2048xf32, #tpu.memory_space<vmem>>
      tpu.enqueue_dma source(%dma_start3A_241 : memref<2048xf32, #tpu.memory_space<vmem>>) target(%dma_start3A_238 : memref<2048xf32, #tpu.memory_space<hbm>>) target_semaphore(%arg8 : memref<!tpu.dma_semaphore, #tpu.memory_space<semaphore_mem>>)
      %slice3A_242 = vector.extract_strided_slice %get3A_52 {offsets = [12], sizes = [1], strides = [1]} : vector<16xi32> to vector<1xi32>
      %squeeze3A_243 = vector.extract %slice3A_242[0] : i32 from vector<1xi32>
      %add3A_244 = arith.constant 12 : i32
      %add3A_245 = arith.addi %add3A_51, %add3A_244 : i32
      %dma_start3A_246 = arith.constant 0 : i32
      %dma_start3A_247 = tpu.memref_slice %arg7[%squeeze3A_243, %dma_start3A_246] : memref<10x2048xf32, #tpu.memory_space<vmem>> -> memref<1x2048xf32, #tpu.memory_space<vmem>>
      %dma_start3A_248 = tpu.memref_squeeze %dma_start3A_247 : memref<1x2048xf32, #tpu.memory_space<vmem>> -> memref<2048xf32, #tpu.memory_space<vmem>>
      %dma_start3A_249 = arith.constant 0 : i32
      %dma_start3A_250 = tpu.memref_slice %arg4[%select_n3A, %add3A_245, %dma_start3A_249] : memref<16x2048x2048xf32, #tpu.memory_space<hbm>> -> memref<1x1x2048xf32, #tpu.memory_space<hbm>>
      %dma_start3A_251 = tpu.memref_squeeze %dma_start3A_250 : memref<1x1x2048xf32, #tpu.memory_space<hbm>> -> memref<2048xf32, #tpu.memory_space<hbm>>
      %dma_start3A_252 = arith.constant 0 : i32
      %dma_start3A_253 = tpu.memref_slice %arg4[%select_n3A, %add3A_245, %dma_start3A_252] : memref<16x2048x2048xf32, #tpu.memory_space<hbm>> -> memref<1x1x2048xf32, #tpu.memory_space<hbm>>
      %dma_start3A_254 = tpu.memref_squeeze %dma_start3A_253 : memref<1x1x2048xf32, #tpu.memory_space<hbm>> -> memref<2048xf32, #tpu.memory_space<hbm>>
      %dma_start3A_255 = arith.constant 0 : i32
      %dma_start3A_256 = tpu.memref_slice %arg7[%squeeze3A_243, %dma_start3A_255] : memref<10x2048xf32, #tpu.memory_space<vmem>> -> memref<1x2048xf32, #tpu.memory_space<vmem>>
      %dma_start3A_257 = tpu.memref_squeeze %dma_start3A_256 : memref<1x2048xf32, #tpu.memory_space<vmem>> -> memref<2048xf32, #tpu.memory_space<vmem>>
      tpu.enqueue_dma source(%dma_start3A_257 : memref<2048xf32, #tpu.memory_space<vmem>>) target(%dma_start3A_254 : memref<2048xf32, #tpu.memory_space<hbm>>) target_semaphore(%arg8 : memref<!tpu.dma_semaphore, #tpu.memory_space<semaphore_mem>>)
      %slice3A_258 = vector.extract_strided_slice %get3A_52 {offsets = [13], sizes = [1], strides = [1]} : vector<16xi32> to vector<1xi32>
      %squeeze3A_259 = vector.extract %slice3A_258[0] : i32 from vector<1xi32>
      %add3A_260 = arith.constant 13 : i32
      %add3A_261 = arith.addi %add3A_51, %add3A_260 : i32
      %dma_start3A_262 = arith.constant 0 : i32
      %dma_start3A_263 = tpu.memref_slice %arg7[%squeeze3A_259, %dma_start3A_262] : memref<10x2048xf32, #tpu.memory_space<vmem>> -> memref<1x2048xf32, #tpu.memory_space<vmem>>
      %dma_start3A_264 = tpu.memref_squeeze %dma_start3A_263 : memref<1x2048xf32, #tpu.memory_space<vmem>> -> memref<2048xf32, #tpu.memory_space<vmem>>
      %dma_start3A_265 = arith.constant 0 : i32
      %dma_start3A_266 = tpu.memref_slice %arg4[%select_n3A, %add3A_261, %dma_start3A_265] : memref<16x2048x2048xf32, #tpu.memory_space<hbm>> -> memref<1x1x2048xf32, #tpu.memory_space<hbm>>
      %dma_start3A_267 = tpu.memref_squeeze %dma_start3A_266 : memref<1x1x2048xf32, #tpu.memory_space<hbm>> -> memref<2048xf32, #tpu.memory_space<hbm>>
      %dma_start3A_268 = arith.constant 0 : i32
      %dma_start3A_269 = tpu.memref_slice %arg4[%select_n3A, %add3A_261, %dma_start3A_268] : memref<16x2048x2048xf32, #tpu.memory_space<hbm>> -> memref<1x1x2048xf32, #tpu.memory_space<hbm>>
      %dma_start3A_270 = tpu.memref_squeeze %dma_start3A_269 : memref<1x1x2048xf32, #tpu.memory_space<hbm>> -> memref<2048xf32, #tpu.memory_space<hbm>>
      %dma_start3A_271 = arith.constant 0 : i32
      %dma_start3A_272 = tpu.memref_slice %arg7[%squeeze3A_259, %dma_start3A_271] : memref<10x2048xf32, #tpu.memory_space<vmem>> -> memref<1x2048xf32, #tpu.memory_space<vmem>>
      %dma_start3A_273 = tpu.memref_squeeze %dma_start3A_272 : memref<1x2048xf32, #tpu.memory_space<vmem>> -> memref<2048xf32, #tpu.memory_space<vmem>>
      tpu.enqueue_dma source(%dma_start3A_273 : memref<2048xf32, #tpu.memory_space<vmem>>) target(%dma_start3A_270 : memref<2048xf32, #tpu.memory_space<hbm>>) target_semaphore(%arg8 : memref<!tpu.dma_semaphore, #tpu.memory_space<semaphore_mem>>)
      %slice3A_274 = vector.extract_strided_slice %get3A_52 {offsets = [14], sizes = [1], strides = [1]} : vector<16xi32> to vector<1xi32>
      %squeeze3A_275 = vector.extract %slice3A_274[0] : i32 from vector<1xi32>
      %add3A_276 = arith.constant 14 : i32
      %add3A_277 = arith.addi %add3A_51, %add3A_276 : i32
      %dma_start3A_278 = arith.constant 0 : i32
      %dma_start3A_279 = tpu.memref_slice %arg7[%squeeze3A_275, %dma_start3A_278] : memref<10x2048xf32, #tpu.memory_space<vmem>> -> memref<1x2048xf32, #tpu.memory_space<vmem>>
      %dma_start3A_280 = tpu.memref_squeeze %dma_start3A_279 : memref<1x2048xf32, #tpu.memory_space<vmem>> -> memref<2048xf32, #tpu.memory_space<vmem>>
      %dma_start3A_281 = arith.constant 0 : i32
      %dma_start3A_282 = tpu.memref_slice %arg4[%select_n3A, %add3A_277, %dma_start3A_281] : memref<16x2048x2048xf32, #tpu.memory_space<hbm>> -> memref<1x1x2048xf32, #tpu.memory_space<hbm>>
      %dma_start3A_283 = tpu.memref_squeeze %dma_start3A_282 : memref<1x1x2048xf32, #tpu.memory_space<hbm>> -> memref<2048xf32, #tpu.memory_space<hbm>>
      %dma_start3A_284 = arith.constant 0 : i32
      %dma_start3A_285 = tpu.memref_slice %arg4[%select_n3A, %add3A_277, %dma_start3A_284] : memref<16x2048x2048xf32, #tpu.memory_space<hbm>> -> memref<1x1x2048xf32, #tpu.memory_space<hbm>>
      %dma_start3A_286 = tpu.memref_squeeze %dma_start3A_285 : memref<1x1x2048xf32, #tpu.memory_space<hbm>> -> memref<2048xf32, #tpu.memory_space<hbm>>
      %dma_start3A_287 = arith.constant 0 : i32
      %dma_start3A_288 = tpu.memref_slice %arg7[%squeeze3A_275, %dma_start3A_287] : memref<10x2048xf32, #tpu.memory_space<vmem>> -> memref<1x2048xf32, #tpu.memory_space<vmem>>
      %dma_start3A_289 = tpu.memref_squeeze %dma_start3A_288 : memref<1x2048xf32, #tpu.memory_space<vmem>> -> memref<2048xf32, #tpu.memory_space<vmem>>
      tpu.enqueue_dma source(%dma_start3A_289 : memref<2048xf32, #tpu.memory_space<vmem>>) target(%dma_start3A_286 : memref<2048xf32, #tpu.memory_space<hbm>>) target_semaphore(%arg8 : memref<!tpu.dma_semaphore, #tpu.memory_space<semaphore_mem>>)
      %slice3A_290 = vector.extract_strided_slice %get3A_52 {offsets = [15], sizes = [1], strides = [1]} : vector<16xi32> to vector<1xi32>
      %squeeze3A_291 = vector.extract %slice3A_290[0] : i32 from vector<1xi32>
      %add3A_292 = arith.constant 15 : i32
      %add3A_293 = arith.addi %add3A_51, %add3A_292 : i32
      %dma_start3A_294 = arith.constant 0 : i32
      %dma_start3A_295 = tpu.memref_slice %arg7[%squeeze3A_291, %dma_start3A_294] : memref<10x2048xf32, #tpu.memory_space<vmem>> -> memref<1x2048xf32, #tpu.memory_space<vmem>>
      %dma_start3A_296 = tpu.memref_squeeze %dma_start3A_295 : memref<1x2048xf32, #tpu.memory_space<vmem>> -> memref<2048xf32, #tpu.memory_space<vmem>>
      %dma_start3A_297 = arith.constant 0 : i32
      %dma_start3A_298 = tpu.memref_slice %arg4[%select_n3A, %add3A_293, %dma_start3A_297] : memref<16x2048x2048xf32, #tpu.memory_space<hbm>> -> memref<1x1x2048xf32, #tpu.memory_space<hbm>>
      %dma_start3A_299 = tpu.memref_squeeze %dma_start3A_298 : memref<1x1x2048xf32, #tpu.memory_space<hbm>> -> memref<2048xf32, #tpu.memory_space<hbm>>
      %dma_start3A_300 = arith.constant 0 : i32
      %dma_start3A_301 = tpu.memref_slice %arg4[%select_n3A, %add3A_293, %dma_start3A_300] : memref<16x2048x2048xf32, #tpu.memory_space<hbm>> -> memref<1x1x2048xf32, #tpu.memory_space<hbm>>
      %dma_start3A_302 = tpu.memref_squeeze %dma_start3A_301 : memref<1x1x2048xf32, #tpu.memory_space<hbm>> -> memref<2048xf32, #tpu.memory_space<hbm>>
      %dma_start3A_303 = arith.constant 0 : i32
      %dma_start3A_304 = tpu.memref_slice %arg7[%squeeze3A_291, %dma_start3A_303] : memref<10x2048xf32, #tpu.memory_space<vmem>> -> memref<1x2048xf32, #tpu.memory_space<vmem>>
      %dma_start3A_305 = tpu.memref_squeeze %dma_start3A_304 : memref<1x2048xf32, #tpu.memory_space<vmem>> -> memref<2048xf32, #tpu.memory_space<vmem>>
      tpu.enqueue_dma source(%dma_start3A_305 : memref<2048xf32, #tpu.memory_space<vmem>>) target(%dma_start3A_302 : memref<2048xf32, #tpu.memory_space<hbm>>) target_semaphore(%arg8 : memref<!tpu.dma_semaphore, #tpu.memory_space<semaphore_mem>>)
      %dma_wait3A = arith.constant 0 : i32
      %dma_wait3A_306 = tpu.memref_slice %arg7[%squeeze3A, %dma_wait3A] : memref<10x2048xf32, #tpu.memory_space<vmem>> -> memref<1x2048xf32, #tpu.memory_space<vmem>>
      %dma_wait3A_307 = tpu.memref_squeeze %dma_wait3A_306 : memref<1x2048xf32, #tpu.memory_space<vmem>> -> memref<2048xf32, #tpu.memory_space<vmem>>
      %dma_wait3A_308 = arith.constant 0 : i32
      %dma_wait3A_309 = tpu.memref_slice %arg4[%select_n3A, %add3A_54, %dma_wait3A_308] : memref<16x2048x2048xf32, #tpu.memory_space<hbm>> -> memref<1x1x2048xf32, #tpu.memory_space<hbm>>
      %dma_wait3A_310 = tpu.memref_squeeze %dma_wait3A_309 : memref<1x1x2048xf32, #tpu.memory_space<hbm>> -> memref<2048xf32, #tpu.memory_space<hbm>>
      %dma_wait3A_311 = arith.constant 0 : i32
      %dma_wait3A_312 = tpu.memref_slice %arg4[%select_n3A, %add3A_54, %dma_wait3A_311] : memref<16x2048x2048xf32, #tpu.memory_space<hbm>> -> memref<1x1x2048xf32, #tpu.memory_space<hbm>>
      %dma_wait3A_313 = tpu.memref_squeeze %dma_wait3A_312 : memref<1x1x2048xf32, #tpu.memory_space<hbm>> -> memref<2048xf32, #tpu.memory_space<hbm>>
      %dma_wait3A_314 = arith.constant 0 : i32
      %dma_wait3A_315 = tpu.memref_slice %arg7[%squeeze3A, %dma_wait3A_314] : memref<10x2048xf32, #tpu.memory_space<vmem>> -> memref<1x2048xf32, #tpu.memory_space<vmem>>
      %dma_wait3A_316 = tpu.memref_squeeze %dma_wait3A_315 : memref<1x2048xf32, #tpu.memory_space<vmem>> -> memref<2048xf32, #tpu.memory_space<vmem>>
      tpu.wait_dma2 semaphore(%arg8 : memref<!tpu.dma_semaphore, #tpu.memory_space<semaphore_mem>>) src(%dma_wait3A_316 : memref<2048xf32, #tpu.memory_space<vmem>>) dst(%dma_wait3A_313 : memref<2048xf32, #tpu.memory_space<hbm>>)
      %dma_wait3A_317 = arith.constant 0 : i32
      %dma_wait3A_318 = tpu.memref_slice %arg7[%squeeze3A_67, %dma_wait3A_317] : memref<10x2048xf32, #tpu.memory_space<vmem>> -> memref<1x2048xf32, #tpu.memory_space<vmem>>
      %dma_wait3A_319 = tpu.memref_squeeze %dma_wait3A_318 : memref<1x2048xf32, #tpu.memory_space<vmem>> -> memref<2048xf32, #tpu.memory_space<vmem>>
      %dma_wait3A_320 = arith.constant 0 : i32
      %dma_wait3A_321 = tpu.memref_slice %arg4[%select_n3A, %add3A_69, %dma_wait3A_320] : memref<16x2048x2048xf32, #tpu.memory_space<hbm>> -> memref<1x1x2048xf32, #tpu.memory_space<hbm>>
      %dma_wait3A_322 = tpu.memref_squeeze %dma_wait3A_321 : memref<1x1x2048xf32, #tpu.memory_space<hbm>> -> memref<2048xf32, #tpu.memory_space<hbm>>
      %dma_wait3A_323 = arith.constant 0 : i32
      %dma_wait3A_324 = tpu.memref_slice %arg4[%select_n3A, %add3A_69, %dma_wait3A_323] : memref<16x2048x2048xf32, #tpu.memory_space<hbm>> -> memref<1x1x2048xf32, #tpu.memory_space<hbm>>
      %dma_wait3A_325 = tpu.memref_squeeze %dma_wait3A_324 : memref<1x1x2048xf32, #tpu.memory_space<hbm>> -> memref<2048xf32, #tpu.memory_space<hbm>>
      %dma_wait3A_326 = arith.constant 0 : i32
      %dma_wait3A_327 = tpu.memref_slice %arg7[%squeeze3A_67, %dma_wait3A_326] : memref<10x2048xf32, #tpu.memory_space<vmem>> -> memref<1x2048xf32, #tpu.memory_space<vmem>>
      %dma_wait3A_328 = tpu.memref_squeeze %dma_wait3A_327 : memref<1x2048xf32, #tpu.memory_space<vmem>> -> memref<2048xf32, #tpu.memory_space<vmem>>
      tpu.wait_dma2 semaphore(%arg8 : memref<!tpu.dma_semaphore, #tpu.memory_space<semaphore_mem>>) src(%dma_wait3A_328 : memref<2048xf32, #tpu.memory_space<vmem>>) dst(%dma_wait3A_325 : memref<2048xf32, #tpu.memory_space<hbm>>)
      %dma_wait3A_329 = arith.constant 0 : i32
      %dma_wait3A_330 = tpu.memref_slice %arg7[%squeeze3A_83, %dma_wait3A_329] : memref<10x2048xf32, #tpu.memory_space<vmem>> -> memref<1x2048xf32, #tpu.memory_space<vmem>>
      %dma_wait3A_331 = tpu.memref_squeeze %dma_wait3A_330 : memref<1x2048xf32, #tpu.memory_space<vmem>> -> memref<2048xf32, #tpu.memory_space<vmem>>
      %dma_wait3A_332 = arith.constant 0 : i32
      %dma_wait3A_333 = tpu.memref_slice %arg4[%select_n3A, %add3A_85, %dma_wait3A_332] : memref<16x2048x2048xf32, #tpu.memory_space<hbm>> -> memref<1x1x2048xf32, #tpu.memory_space<hbm>>
      %dma_wait3A_334 = tpu.memref_squeeze %dma_wait3A_333 : memref<1x1x2048xf32, #tpu.memory_space<hbm>> -> memref<2048xf32, #tpu.memory_space<hbm>>
      %dma_wait3A_335 = arith.constant 0 : i32
      %dma_wait3A_336 = tpu.memref_slice %arg4[%select_n3A, %add3A_85, %dma_wait3A_335] : memref<16x2048x2048xf32, #tpu.memory_space<hbm>> -> memref<1x1x2048xf32, #tpu.memory_space<hbm>>
      %dma_wait3A_337 = tpu.memref_squeeze %dma_wait3A_336 : memref<1x1x2048xf32, #tpu.memory_space<hbm>> -> memref<2048xf32, #tpu.memory_space<hbm>>
      %dma_wait3A_338 = arith.constant 0 : i32
      %dma_wait3A_339 = tpu.memref_slice %arg7[%squeeze3A_83, %dma_wait3A_338] : memref<10x2048xf32, #tpu.memory_space<vmem>> -> memref<1x2048xf32, #tpu.memory_space<vmem>>
      %dma_wait3A_340 = tpu.memref_squeeze %dma_wait3A_339 : memref<1x2048xf32, #tpu.memory_space<vmem>> -> memref<2048xf32, #tpu.memory_space<vmem>>
      tpu.wait_dma2 semaphore(%arg8 : memref<!tpu.dma_semaphore, #tpu.memory_space<semaphore_mem>>) src(%dma_wait3A_340 : memref<2048xf32, #tpu.memory_space<vmem>>) dst(%dma_wait3A_337 : memref<2048xf32, #tpu.memory_space<hbm>>)
      %dma_wait3A_341 = arith.constant 0 : i32
      %dma_wait3A_342 = tpu.memref_slice %arg7[%squeeze3A_99, %dma_wait3A_341] : memref<10x2048xf32, #tpu.memory_space<vmem>> -> memref<1x2048xf32, #tpu.memory_space<vmem>>
      %dma_wait3A_343 = tpu.memref_squeeze %dma_wait3A_342 : memref<1x2048xf32, #tpu.memory_space<vmem>> -> memref<2048xf32, #tpu.memory_space<vmem>>
      %dma_wait3A_344 = arith.constant 0 : i32
      %dma_wait3A_345 = tpu.memref_slice %arg4[%select_n3A, %add3A_101, %dma_wait3A_344] : memref<16x2048x2048xf32, #tpu.memory_space<hbm>> -> memref<1x1x2048xf32, #tpu.memory_space<hbm>>
      %dma_wait3A_346 = tpu.memref_squeeze %dma_wait3A_345 : memref<1x1x2048xf32, #tpu.memory_space<hbm>> -> memref<2048xf32, #tpu.memory_space<hbm>>
      %dma_wait3A_347 = arith.constant 0 : i32
      %dma_wait3A_348 = tpu.memref_slice %arg4[%select_n3A, %add3A_101, %dma_wait3A_347] : memref<16x2048x2048xf32, #tpu.memory_space<hbm>> -> memref<1x1x2048xf32, #tpu.memory_space<hbm>>
      %dma_wait3A_349 = tpu.memref_squeeze %dma_wait3A_348 : memref<1x1x2048xf32, #tpu.memory_space<hbm>> -> memref<2048xf32, #tpu.memory_space<hbm>>
      %dma_wait3A_350 = arith.constant 0 : i32
      %dma_wait3A_351 = tpu.memref_slice %arg7[%squeeze3A_99, %dma_wait3A_350] : memref<10x2048xf32, #tpu.memory_space<vmem>> -> memref<1x2048xf32, #tpu.memory_space<vmem>>
      %dma_wait3A_352 = tpu.memref_squeeze %dma_wait3A_351 : memref<1x2048xf32, #tpu.memory_space<vmem>> -> memref<2048xf32, #tpu.memory_space<vmem>>
      tpu.wait_dma2 semaphore(%arg8 : memref<!tpu.dma_semaphore, #tpu.memory_space<semaphore_mem>>) src(%dma_wait3A_352 : memref<2048xf32, #tpu.memory_space<vmem>>) dst(%dma_wait3A_349 : memref<2048xf32, #tpu.memory_space<hbm>>)
      %dma_wait3A_353 = arith.constant 0 : i32
      %dma_wait3A_354 = tpu.memref_slice %arg7[%squeeze3A_115, %dma_wait3A_353] : memref<10x2048xf32, #tpu.memory_space<vmem>> -> memref<1x2048xf32, #tpu.memory_space<vmem>>
      %dma_wait3A_355 = tpu.memref_squeeze %dma_wait3A_354 : memref<1x2048xf32, #tpu.memory_space<vmem>> -> memref<2048xf32, #tpu.memory_space<vmem>>
      %dma_wait3A_356 = arith.constant 0 : i32
      %dma_wait3A_357 = tpu.memref_slice %arg4[%select_n3A, %add3A_117, %dma_wait3A_356] : memref<16x2048x2048xf32, #tpu.memory_space<hbm>> -> memref<1x1x2048xf32, #tpu.memory_space<hbm>>
      %dma_wait3A_358 = tpu.memref_squeeze %dma_wait3A_357 : memref<1x1x2048xf32, #tpu.memory_space<hbm>> -> memref<2048xf32, #tpu.memory_space<hbm>>
      %dma_wait3A_359 = arith.constant 0 : i32
      %dma_wait3A_360 = tpu.memref_slice %arg4[%select_n3A, %add3A_117, %dma_wait3A_359] : memref<16x2048x2048xf32, #tpu.memory_space<hbm>> -> memref<1x1x2048xf32, #tpu.memory_space<hbm>>
      %dma_wait3A_361 = tpu.memref_squeeze %dma_wait3A_360 : memref<1x1x2048xf32, #tpu.memory_space<hbm>> -> memref<2048xf32, #tpu.memory_space<hbm>>
      %dma_wait3A_362 = arith.constant 0 : i32
      %dma_wait3A_363 = tpu.memref_slice %arg7[%squeeze3A_115, %dma_wait3A_362] : memref<10x2048xf32, #tpu.memory_space<vmem>> -> memref<1x2048xf32, #tpu.memory_space<vmem>>
      %dma_wait3A_364 = tpu.memref_squeeze %dma_wait3A_363 : memref<1x2048xf32, #tpu.memory_space<vmem>> -> memref<2048xf32, #tpu.memory_space<vmem>>
      tpu.wait_dma2 semaphore(%arg8 : memref<!tpu.dma_semaphore, #tpu.memory_space<semaphore_mem>>) src(%dma_wait3A_364 : memref<2048xf32, #tpu.memory_space<vmem>>) dst(%dma_wait3A_361 : memref<2048xf32, #tpu.memory_space<hbm>>)
      %dma_wait3A_365 = arith.constant 0 : i32
      %dma_wait3A_366 = tpu.memref_slice %arg7[%squeeze3A_131, %dma_wait3A_365] : memref<10x2048xf32, #tpu.memory_space<vmem>> -> memref<1x2048xf32, #tpu.memory_space<vmem>>
      %dma_wait3A_367 = tpu.memref_squeeze %dma_wait3A_366 : memref<1x2048xf32, #tpu.memory_space<vmem>> -> memref<2048xf32, #tpu.memory_space<vmem>>
      %dma_wait3A_368 = arith.constant 0 : i32
      %dma_wait3A_369 = tpu.memref_slice %arg4[%select_n3A, %add3A_133, %dma_wait3A_368] : memref<16x2048x2048xf32, #tpu.memory_space<hbm>> -> memref<1x1x2048xf32, #tpu.memory_space<hbm>>
      %dma_wait3A_370 = tpu.memref_squeeze %dma_wait3A_369 : memref<1x1x2048xf32, #tpu.memory_space<hbm>> -> memref<2048xf32, #tpu.memory_space<hbm>>
      %dma_wait3A_371 = arith.constant 0 : i32
      %dma_wait3A_372 = tpu.memref_slice %arg4[%select_n3A, %add3A_133, %dma_wait3A_371] : memref<16x2048x2048xf32, #tpu.memory_space<hbm>> -> memref<1x1x2048xf32, #tpu.memory_space<hbm>>
      %dma_wait3A_373 = tpu.memref_squeeze %dma_wait3A_372 : memref<1x1x2048xf32, #tpu.memory_space<hbm>> -> memref<2048xf32, #tpu.memory_space<hbm>>
      %dma_wait3A_374 = arith.constant 0 : i32
      %dma_wait3A_375 = tpu.memref_slice %arg7[%squeeze3A_131, %dma_wait3A_374] : memref<10x2048xf32, #tpu.memory_space<vmem>> -> memref<1x2048xf32, #tpu.memory_space<vmem>>
      %dma_wait3A_376 = tpu.memref_squeeze %dma_wait3A_375 : memref<1x2048xf32, #tpu.memory_space<vmem>> -> memref<2048xf32, #tpu.memory_space<vmem>>
      tpu.wait_dma2 semaphore(%arg8 : memref<!tpu.dma_semaphore, #tpu.memory_space<semaphore_mem>>) src(%dma_wait3A_376 : memref<2048xf32, #tpu.memory_space<vmem>>) dst(%dma_wait3A_373 : memref<2048xf32, #tpu.memory_space<hbm>>)
      %dma_wait3A_377 = arith.constant 0 : i32
      %dma_wait3A_378 = tpu.memref_slice %arg7[%squeeze3A_147, %dma_wait3A_377] : memref<10x2048xf32, #tpu.memory_space<vmem>> -> memref<1x2048xf32, #tpu.memory_space<vmem>>
      %dma_wait3A_379 = tpu.memref_squeeze %dma_wait3A_378 : memref<1x2048xf32, #tpu.memory_space<vmem>> -> memref<2048xf32, #tpu.memory_space<vmem>>
      %dma_wait3A_380 = arith.constant 0 : i32
      %dma_wait3A_381 = tpu.memref_slice %arg4[%select_n3A, %add3A_149, %dma_wait3A_380] : memref<16x2048x2048xf32, #tpu.memory_space<hbm>> -> memref<1x1x2048xf32, #tpu.memory_space<hbm>>
      %dma_wait3A_382 = tpu.memref_squeeze %dma_wait3A_381 : memref<1x1x2048xf32, #tpu.memory_space<hbm>> -> memref<2048xf32, #tpu.memory_space<hbm>>
      %dma_wait3A_383 = arith.constant 0 : i32
      %dma_wait3A_384 = tpu.memref_slice %arg4[%select_n3A, %add3A_149, %dma_wait3A_383] : memref<16x2048x2048xf32, #tpu.memory_space<hbm>> -> memref<1x1x2048xf32, #tpu.memory_space<hbm>>
      %dma_wait3A_385 = tpu.memref_squeeze %dma_wait3A_384 : memref<1x1x2048xf32, #tpu.memory_space<hbm>> -> memref<2048xf32, #tpu.memory_space<hbm>>
      %dma_wait3A_386 = arith.constant 0 : i32
      %dma_wait3A_387 = tpu.memref_slice %arg7[%squeeze3A_147, %dma_wait3A_386] : memref<10x2048xf32, #tpu.memory_space<vmem>> -> memref<1x2048xf32, #tpu.memory_space<vmem>>
      %dma_wait3A_388 = tpu.memref_squeeze %dma_wait3A_387 : memref<1x2048xf32, #tpu.memory_space<vmem>> -> memref<2048xf32, #tpu.memory_space<vmem>>
      tpu.wait_dma2 semaphore(%arg8 : memref<!tpu.dma_semaphore, #tpu.memory_space<semaphore_mem>>) src(%dma_wait3A_388 : memref<2048xf32, #tpu.memory_space<vmem>>) dst(%dma_wait3A_385 : memref<2048xf32, #tpu.memory_space<hbm>>)
      %dma_wait3A_389 = arith.constant 0 : i32
      %dma_wait3A_390 = tpu.memref_slice %arg7[%squeeze3A_163, %dma_wait3A_389] : memref<10x2048xf32, #tpu.memory_space<vmem>> -> memref<1x2048xf32, #tpu.memory_space<vmem>>
      %dma_wait3A_391 = tpu.memref_squeeze %dma_wait3A_390 : memref<1x2048xf32, #tpu.memory_space<vmem>> -> memref<2048xf32, #tpu.memory_space<vmem>>
      %dma_wait3A_392 = arith.constant 0 : i32
      %dma_wait3A_393 = tpu.memref_slice %arg4[%select_n3A, %add3A_165, %dma_wait3A_392] : memref<16x2048x2048xf32, #tpu.memory_space<hbm>> -> memref<1x1x2048xf32, #tpu.memory_space<hbm>>
      %dma_wait3A_394 = tpu.memref_squeeze %dma_wait3A_393 : memref<1x1x2048xf32, #tpu.memory_space<hbm>> -> memref<2048xf32, #tpu.memory_space<hbm>>
      %dma_wait3A_395 = arith.constant 0 : i32
      %dma_wait3A_396 = tpu.memref_slice %arg4[%select_n3A, %add3A_165, %dma_wait3A_395] : memref<16x2048x2048xf32, #tpu.memory_space<hbm>> -> memref<1x1x2048xf32, #tpu.memory_space<hbm>>
      %dma_wait3A_397 = tpu.memref_squeeze %dma_wait3A_396 : memref<1x1x2048xf32, #tpu.memory_space<hbm>> -> memref<2048xf32, #tpu.memory_space<hbm>>
      %dma_wait3A_398 = arith.constant 0 : i32
      %dma_wait3A_399 = tpu.memref_slice %arg7[%squeeze3A_163, %dma_wait3A_398] : memref<10x2048xf32, #tpu.memory_space<vmem>> -> memref<1x2048xf32, #tpu.memory_space<vmem>>
      %dma_wait3A_400 = tpu.memref_squeeze %dma_wait3A_399 : memref<1x2048xf32, #tpu.memory_space<vmem>> -> memref<2048xf32, #tpu.memory_space<vmem>>
      tpu.wait_dma2 semaphore(%arg8 : memref<!tpu.dma_semaphore, #tpu.memory_space<semaphore_mem>>) src(%dma_wait3A_400 : memref<2048xf32, #tpu.memory_space<vmem>>) dst(%dma_wait3A_397 : memref<2048xf32, #tpu.memory_space<hbm>>)
      %dma_wait3A_401 = arith.constant 0 : i32
      %dma_wait3A_402 = tpu.memref_slice %arg7[%squeeze3A_179, %dma_wait3A_401] : memref<10x2048xf32, #tpu.memory_space<vmem>> -> memref<1x2048xf32, #tpu.memory_space<vmem>>
      %dma_wait3A_403 = tpu.memref_squeeze %dma_wait3A_402 : memref<1x2048xf32, #tpu.memory_space<vmem>> -> memref<2048xf32, #tpu.memory_space<vmem>>
      %dma_wait3A_404 = arith.constant 0 : i32
      %dma_wait3A_405 = tpu.memref_slice %arg4[%select_n3A, %add3A_181, %dma_wait3A_404] : memref<16x2048x2048xf32, #tpu.memory_space<hbm>> -> memref<1x1x2048xf32, #tpu.memory_space<hbm>>
      %dma_wait3A_406 = tpu.memref_squeeze %dma_wait3A_405 : memref<1x1x2048xf32, #tpu.memory_space<hbm>> -> memref<2048xf32, #tpu.memory_space<hbm>>
      %dma_wait3A_407 = arith.constant 0 : i32
      %dma_wait3A_408 = tpu.memref_slice %arg4[%select_n3A, %add3A_181, %dma_wait3A_407] : memref<16x2048x2048xf32, #tpu.memory_space<hbm>> -> memref<1x1x2048xf32, #tpu.memory_space<hbm>>
      %dma_wait3A_409 = tpu.memref_squeeze %dma_wait3A_408 : memref<1x1x2048xf32, #tpu.memory_space<hbm>> -> memref<2048xf32, #tpu.memory_space<hbm>>
      %dma_wait3A_410 = arith.constant 0 : i32
      %dma_wait3A_411 = tpu.memref_slice %arg7[%squeeze3A_179, %dma_wait3A_410] : memref<10x2048xf32, #tpu.memory_space<vmem>> -> memref<1x2048xf32, #tpu.memory_space<vmem>>
      %dma_wait3A_412 = tpu.memref_squeeze %dma_wait3A_411 : memref<1x2048xf32, #tpu.memory_space<vmem>> -> memref<2048xf32, #tpu.memory_space<vmem>>
      tpu.wait_dma2 semaphore(%arg8 : memref<!tpu.dma_semaphore, #tpu.memory_space<semaphore_mem>>) src(%dma_wait3A_412 : memref<2048xf32, #tpu.memory_space<vmem>>) dst(%dma_wait3A_409 : memref<2048xf32, #tpu.memory_space<hbm>>)
      %dma_wait3A_413 = arith.constant 0 : i32
      %dma_wait3A_414 = tpu.memref_slice %arg7[%squeeze3A_195, %dma_wait3A_413] : memref<10x2048xf32, #tpu.memory_space<vmem>> -> memref<1x2048xf32, #tpu.memory_space<vmem>>
      %dma_wait3A_415 = tpu.memref_squeeze %dma_wait3A_414 : memref<1x2048xf32, #tpu.memory_space<vmem>> -> memref<2048xf32, #tpu.memory_space<vmem>>
      %dma_wait3A_416 = arith.constant 0 : i32
      %dma_wait3A_417 = tpu.memref_slice %arg4[%select_n3A, %add3A_197, %dma_wait3A_416] : memref<16x2048x2048xf32, #tpu.memory_space<hbm>> -> memref<1x1x2048xf32, #tpu.memory_space<hbm>>
      %dma_wait3A_418 = tpu.memref_squeeze %dma_wait3A_417 : memref<1x1x2048xf32, #tpu.memory_space<hbm>> -> memref<2048xf32, #tpu.memory_space<hbm>>
      %dma_wait3A_419 = arith.constant 0 : i32
      %dma_wait3A_420 = tpu.memref_slice %arg4[%select_n3A, %add3A_197, %dma_wait3A_419] : memref<16x2048x2048xf32, #tpu.memory_space<hbm>> -> memref<1x1x2048xf32, #tpu.memory_space<hbm>>
      %dma_wait3A_421 = tpu.memref_squeeze %dma_wait3A_420 : memref<1x1x2048xf32, #tpu.memory_space<hbm>> -> memref<2048xf32, #tpu.memory_space<hbm>>
      %dma_wait3A_422 = arith.constant 0 : i32
      %dma_wait3A_423 = tpu.memref_slice %arg7[%squeeze3A_195, %dma_wait3A_422] : memref<10x2048xf32, #tpu.memory_space<vmem>> -> memref<1x2048xf32, #tpu.memory_space<vmem>>
      %dma_wait3A_424 = tpu.memref_squeeze %dma_wait3A_423 : memref<1x2048xf32, #tpu.memory_space<vmem>> -> memref<2048xf32, #tpu.memory_space<vmem>>
      tpu.wait_dma2 semaphore(%arg8 : memref<!tpu.dma_semaphore, #tpu.memory_space<semaphore_mem>>) src(%dma_wait3A_424 : memref<2048xf32, #tpu.memory_space<vmem>>) dst(%dma_wait3A_421 : memref<2048xf32, #tpu.memory_space<hbm>>)
      %dma_wait3A_425 = arith.constant 0 : i32
      %dma_wait3A_426 = tpu.memref_slice %arg7[%squeeze3A_211, %dma_wait3A_425] : memref<10x2048xf32, #tpu.memory_space<vmem>> -> memref<1x2048xf32, #tpu.memory_space<vmem>>
      %dma_wait3A_427 = tpu.memref_squeeze %dma_wait3A_426 : memref<1x2048xf32, #tpu.memory_space<vmem>> -> memref<2048xf32, #tpu.memory_space<vmem>>
      %dma_wait3A_428 = arith.constant 0 : i32
      %dma_wait3A_429 = tpu.memref_slice %arg4[%select_n3A, %add3A_213, %dma_wait3A_428] : memref<16x2048x2048xf32, #tpu.memory_space<hbm>> -> memref<1x1x2048xf32, #tpu.memory_space<hbm>>
      %dma_wait3A_430 = tpu.memref_squeeze %dma_wait3A_429 : memref<1x1x2048xf32, #tpu.memory_space<hbm>> -> memref<2048xf32, #tpu.memory_space<hbm>>
      %dma_wait3A_431 = arith.constant 0 : i32
      %dma_wait3A_432 = tpu.memref_slice %arg4[%select_n3A, %add3A_213, %dma_wait3A_431] : memref<16x2048x2048xf32, #tpu.memory_space<hbm>> -> memref<1x1x2048xf32, #tpu.memory_space<hbm>>
      %dma_wait3A_433 = tpu.memref_squeeze %dma_wait3A_432 : memref<1x1x2048xf32, #tpu.memory_space<hbm>> -> memref<2048xf32, #tpu.memory_space<hbm>>
      %dma_wait3A_434 = arith.constant 0 : i32
      %dma_wait3A_435 = tpu.memref_slice %arg7[%squeeze3A_211, %dma_wait3A_434] : memref<10x2048xf32, #tpu.memory_space<vmem>> -> memref<1x2048xf32, #tpu.memory_space<vmem>>
      %dma_wait3A_436 = tpu.memref_squeeze %dma_wait3A_435 : memref<1x2048xf32, #tpu.memory_space<vmem>> -> memref<2048xf32, #tpu.memory_space<vmem>>
      tpu.wait_dma2 semaphore(%arg8 : memref<!tpu.dma_semaphore, #tpu.memory_space<semaphore_mem>>) src(%dma_wait3A_436 : memref<2048xf32, #tpu.memory_space<vmem>>) dst(%dma_wait3A_433 : memref<2048xf32, #tpu.memory_space<hbm>>)
      %dma_wait3A_437 = arith.constant 0 : i32
      %dma_wait3A_438 = tpu.memref_slice %arg7[%squeeze3A_227, %dma_wait3A_437] : memref<10x2048xf32, #tpu.memory_space<vmem>> -> memref<1x2048xf32, #tpu.memory_space<vmem>>
      %dma_wait3A_439 = tpu.memref_squeeze %dma_wait3A_438 : memref<1x2048xf32, #tpu.memory_space<vmem>> -> memref<2048xf32, #tpu.memory_space<vmem>>
      %dma_wait3A_440 = arith.constant 0 : i32
      %dma_wait3A_441 = tpu.memref_slice %arg4[%select_n3A, %add3A_229, %dma_wait3A_440] : memref<16x2048x2048xf32, #tpu.memory_space<hbm>> -> memref<1x1x2048xf32, #tpu.memory_space<hbm>>
      %dma_wait3A_442 = tpu.memref_squeeze %dma_wait3A_441 : memref<1x1x2048xf32, #tpu.memory_space<hbm>> -> memref<2048xf32, #tpu.memory_space<hbm>>
      %dma_wait3A_443 = arith.constant 0 : i32
      %dma_wait3A_444 = tpu.memref_slice %arg4[%select_n3A, %add3A_229, %dma_wait3A_443] : memref<16x2048x2048xf32, #tpu.memory_space<hbm>> -> memref<1x1x2048xf32, #tpu.memory_space<hbm>>
      %dma_wait3A_445 = tpu.memref_squeeze %dma_wait3A_444 : memref<1x1x2048xf32, #tpu.memory_space<hbm>> -> memref<2048xf32, #tpu.memory_space<hbm>>
      %dma_wait3A_446 = arith.constant 0 : i32
      %dma_wait3A_447 = tpu.memref_slice %arg7[%squeeze3A_227, %dma_wait3A_446] : memref<10x2048xf32, #tpu.memory_space<vmem>> -> memref<1x2048xf32, #tpu.memory_space<vmem>>
      %dma_wait3A_448 = tpu.memref_squeeze %dma_wait3A_447 : memref<1x2048xf32, #tpu.memory_space<vmem>> -> memref<2048xf32, #tpu.memory_space<vmem>>
      tpu.wait_dma2 semaphore(%arg8 : memref<!tpu.dma_semaphore, #tpu.memory_space<semaphore_mem>>) src(%dma_wait3A_448 : memref<2048xf32, #tpu.memory_space<vmem>>) dst(%dma_wait3A_445 : memref<2048xf32, #tpu.memory_space<hbm>>)
      %dma_wait3A_449 = arith.constant 0 : i32
      %dma_wait3A_450 = tpu.memref_slice %arg7[%squeeze3A_243, %dma_wait3A_449] : memref<10x2048xf32, #tpu.memory_space<vmem>> -> memref<1x2048xf32, #tpu.memory_space<vmem>>
      %dma_wait3A_451 = tpu.memref_squeeze %dma_wait3A_450 : memref<1x2048xf32, #tpu.memory_space<vmem>> -> memref<2048xf32, #tpu.memory_space<vmem>>
      %dma_wait3A_452 = arith.constant 0 : i32
      %dma_wait3A_453 = tpu.memref_slice %arg4[%select_n3A, %add3A_245, %dma_wait3A_452] : memref<16x2048x2048xf32, #tpu.memory_space<hbm>> -> memref<1x1x2048xf32, #tpu.memory_space<hbm>>
      %dma_wait3A_454 = tpu.memref_squeeze %dma_wait3A_453 : memref<1x1x2048xf32, #tpu.memory_space<hbm>> -> memref<2048xf32, #tpu.memory_space<hbm>>
      %dma_wait3A_455 = arith.constant 0 : i32
      %dma_wait3A_456 = tpu.memref_slice %arg4[%select_n3A, %add3A_245, %dma_wait3A_455] : memref<16x2048x2048xf32, #tpu.memory_space<hbm>> -> memref<1x1x2048xf32, #tpu.memory_space<hbm>>
      %dma_wait3A_457 = tpu.memref_squeeze %dma_wait3A_456 : memref<1x1x2048xf32, #tpu.memory_space<hbm>> -> memref<2048xf32, #tpu.memory_space<hbm>>
      %dma_wait3A_458 = arith.constant 0 : i32
      %dma_wait3A_459 = tpu.memref_slice %arg7[%squeeze3A_243, %dma_wait3A_458] : memref<10x2048xf32, #tpu.memory_space<vmem>> -> memref<1x2048xf32, #tpu.memory_space<vmem>>
      %dma_wait3A_460 = tpu.memref_squeeze %dma_wait3A_459 : memref<1x2048xf32, #tpu.memory_space<vmem>> -> memref<2048xf32, #tpu.memory_space<vmem>>
      tpu.wait_dma2 semaphore(%arg8 : memref<!tpu.dma_semaphore, #tpu.memory_space<semaphore_mem>>) src(%dma_wait3A_460 : memref<2048xf32, #tpu.memory_space<vmem>>) dst(%dma_wait3A_457 : memref<2048xf32, #tpu.memory_space<hbm>>)
      %dma_wait3A_461 = arith.constant 0 : i32
      %dma_wait3A_462 = tpu.memref_slice %arg7[%squeeze3A_259, %dma_wait3A_461] : memref<10x2048xf32, #tpu.memory_space<vmem>> -> memref<1x2048xf32, #tpu.memory_space<vmem>>
      %dma_wait3A_463 = tpu.memref_squeeze %dma_wait3A_462 : memref<1x2048xf32, #tpu.memory_space<vmem>> -> memref<2048xf32, #tpu.memory_space<vmem>>
      %dma_wait3A_464 = arith.constant 0 : i32
      %dma_wait3A_465 = tpu.memref_slice %arg4[%select_n3A, %add3A_261, %dma_wait3A_464] : memref<16x2048x2048xf32, #tpu.memory_space<hbm>> -> memref<1x1x2048xf32, #tpu.memory_space<hbm>>
      %dma_wait3A_466 = tpu.memref_squeeze %dma_wait3A_465 : memref<1x1x2048xf32, #tpu.memory_space<hbm>> -> memref<2048xf32, #tpu.memory_space<hbm>>
      %dma_wait3A_467 = arith.constant 0 : i32
      %dma_wait3A_468 = tpu.memref_slice %arg4[%select_n3A, %add3A_261, %dma_wait3A_467] : memref<16x2048x2048xf32, #tpu.memory_space<hbm>> -> memref<1x1x2048xf32, #tpu.memory_space<hbm>>
      %dma_wait3A_469 = tpu.memref_squeeze %dma_wait3A_468 : memref<1x1x2048xf32, #tpu.memory_space<hbm>> -> memref<2048xf32, #tpu.memory_space<hbm>>
      %dma_wait3A_470 = arith.constant 0 : i32
      %dma_wait3A_471 = tpu.memref_slice %arg7[%squeeze3A_259, %dma_wait3A_470] : memref<10x2048xf32, #tpu.memory_space<vmem>> -> memref<1x2048xf32, #tpu.memory_space<vmem>>
      %dma_wait3A_472 = tpu.memref_squeeze %dma_wait3A_471 : memref<1x2048xf32, #tpu.memory_space<vmem>> -> memref<2048xf32, #tpu.memory_space<vmem>>
      tpu.wait_dma2 semaphore(%arg8 : memref<!tpu.dma_semaphore, #tpu.memory_space<semaphore_mem>>) src(%dma_wait3A_472 : memref<2048xf32, #tpu.memory_space<vmem>>) dst(%dma_wait3A_469 : memref<2048xf32, #tpu.memory_space<hbm>>)
      %dma_wait3A_473 = arith.constant 0 : i32
      %dma_wait3A_474 = tpu.memref_slice %arg7[%squeeze3A_275, %dma_wait3A_473] : memref<10x2048xf32, #tpu.memory_space<vmem>> -> memref<1x2048xf32, #tpu.memory_space<vmem>>
      %dma_wait3A_475 = tpu.memref_squeeze %dma_wait3A_474 : memref<1x2048xf32, #tpu.memory_space<vmem>> -> memref<2048xf32, #tpu.memory_space<vmem>>
      %dma_wait3A_476 = arith.constant 0 : i32
      %dma_wait3A_477 = tpu.memref_slice %arg4[%select_n3A, %add3A_277, %dma_wait3A_476] : memref<16x2048x2048xf32, #tpu.memory_space<hbm>> -> memref<1x1x2048xf32, #tpu.memory_space<hbm>>
      %dma_wait3A_478 = tpu.memref_squeeze %dma_wait3A_477 : memref<1x1x2048xf32, #tpu.memory_space<hbm>> -> memref<2048xf32, #tpu.memory_space<hbm>>
      %dma_wait3A_479 = arith.constant 0 : i32
      %dma_wait3A_480 = tpu.memref_slice %arg4[%select_n3A, %add3A_277, %dma_wait3A_479] : memref<16x2048x2048xf32, #tpu.memory_space<hbm>> -> memref<1x1x2048xf32, #tpu.memory_space<hbm>>
      %dma_wait3A_481 = tpu.memref_squeeze %dma_wait3A_480 : memref<1x1x2048xf32, #tpu.memory_space<hbm>> -> memref<2048xf32, #tpu.memory_space<hbm>>
      %dma_wait3A_482 = arith.constant 0 : i32
      %dma_wait3A_483 = tpu.memref_slice %arg7[%squeeze3A_275, %dma_wait3A_482] : memref<10x2048xf32, #tpu.memory_space<vmem>> -> memref<1x2048xf32, #tpu.memory_space<vmem>>
      %dma_wait3A_484 = tpu.memref_squeeze %dma_wait3A_483 : memref<1x2048xf32, #tpu.memory_space<vmem>> -> memref<2048xf32, #tpu.memory_space<vmem>>
      tpu.wait_dma2 semaphore(%arg8 : memref<!tpu.dma_semaphore, #tpu.memory_space<semaphore_mem>>) src(%dma_wait3A_484 : memref<2048xf32, #tpu.memory_space<vmem>>) dst(%dma_wait3A_481 : memref<2048xf32, #tpu.memory_space<hbm>>)
      %dma_wait3A_485 = arith.constant 0 : i32
      %dma_wait3A_486 = tpu.memref_slice %arg7[%squeeze3A_291, %dma_wait3A_485] : memref<10x2048xf32, #tpu.memory_space<vmem>> -> memref<1x2048xf32, #tpu.memory_space<vmem>>
      %dma_wait3A_487 = tpu.memref_squeeze %dma_wait3A_486 : memref<1x2048xf32, #tpu.memory_space<vmem>> -> memref<2048xf32, #tpu.memory_space<vmem>>
      %dma_wait3A_488 = arith.constant 0 : i32
      %dma_wait3A_489 = tpu.memref_slice %arg4[%select_n3A, %add3A_293, %dma_wait3A_488] : memref<16x2048x2048xf32, #tpu.memory_space<hbm>> -> memref<1x1x2048xf32, #tpu.memory_space<hbm>>
      %dma_wait3A_490 = tpu.memref_squeeze %dma_wait3A_489 : memref<1x1x2048xf32, #tpu.memory_space<hbm>> -> memref<2048xf32, #tpu.memory_space<hbm>>
      %dma_wait3A_491 = arith.constant 0 : i32
      %dma_wait3A_492 = tpu.memref_slice %arg4[%select_n3A, %add3A_293, %dma_wait3A_491] : memref<16x2048x2048xf32, #tpu.memory_space<hbm>> -> memref<1x1x2048xf32, #tpu.memory_space<hbm>>
      %dma_wait3A_493 = tpu.memref_squeeze %dma_wait3A_492 : memref<1x1x2048xf32, #tpu.memory_space<hbm>> -> memref<2048xf32, #tpu.memory_space<hbm>>
      %dma_wait3A_494 = arith.constant 0 : i32
      %dma_wait3A_495 = tpu.memref_slice %arg7[%squeeze3A_291, %dma_wait3A_494] : memref<10x2048xf32, #tpu.memory_space<vmem>> -> memref<1x2048xf32, #tpu.memory_space<vmem>>
      %dma_wait3A_496 = tpu.memref_squeeze %dma_wait3A_495 : memref<1x2048xf32, #tpu.memory_space<vmem>> -> memref<2048xf32, #tpu.memory_space<vmem>>
      tpu.wait_dma2 semaphore(%arg8 : memref<!tpu.dma_semaphore, #tpu.memory_space<semaphore_mem>>) src(%dma_wait3A_496 : memref<2048xf32, #tpu.memory_space<vmem>>) dst(%dma_wait3A_493 : memref<2048xf32, #tpu.memory_space<hbm>>)
    }
    %scan3A_45 = arith.constant 64 : i32
    return
  }
}

</mosaic_0001>

<sc_bundles>
// kernel: kernel.3.cloned.1.call-start
scs
__scs_entry_jumppad:
0x0: {  	(pc) =	sbr.rel $0x88, $3  }
0x1: {  	(tag) =	ssettag $0x0;
	lr =	simm.s32 $0x1  }
0x2: {  	[smem:$0x3F9F] =	sst lr;
	_ =	strace $0xD0000000  }
0x3: {  	_ = 	snop  }
0x4: {  	_ = 	snop  }
0x5: {  	_ = 	snop  }
0x6: {  	_ = 	snop  }
0x7: {  	_ = 	snop  }
__scs_overlays_trampoline_lowered:
0x8: {  	[smem:$0x3FAE] =	sst s0  }
0x9: {  	[smem:$0x3FAF] =	sst s1  }
0xa: {  	[smem:$0x3FB0] =	sst s2  }
0xb: {  	[smem:$0x3FB1] =	sst s3  }
0xc: {  	[smem:$0x3FB2] =	sst s4  }
0xd: {  	[smem:$0x3FB3] =	sst s5  }
0xe: {  	[smem:$0x3FB4] =	sst s6  }
0xf: {  	[smem:$0x3FB5] =	sst s7  }
0x10: {  	[smem:$0x3FB6] =	sst s8  }
0x11: {  	[smem:$0x3FB7] =	sst s9;
	s0 =	simm.s32 @!p0 $0x0  }
0x12: {  	s1 =	sld [smem:$0x3F9D];
	s0 =	simm.s32 @p0 $0x1  }
0x13: {  	[smem:$0x3FB8] =	sst s0;
	s0 =	simm.s32 @!p1 $0x0  }
0x14: {  	s2 =	sld [smem:$0x3F9C];
	s0 =	simm.s32 @p1 $0x1  }
0x15: {  	[smem:$0x3FB9] =	sst s0;
	s0 =	simm.s32 @!p2 $0x0  }
0x16: {  	s3 =	sld [smem:$0x3FDB];
	s0 =	simm.s32 @p2 $0x1  }
0x17: {  	s4 =	simm.s32 $0x1BF5;
	[smem:$0x3FBB] =	sst s0  }
0x18: {  	s0 =	sld [smem:$0x3F9E];
	_ =	swait.ge [sflag:s4], $0x0  }
0x19: {  	s7 =	sld [smem:$0x3F9F]  }
0x1a: {  	s8 =	sadd.s32 $0xFFFFE003, lr  }
0x1b: {  	s9 =	sadd.s32 $0xFFFFFEF7, lr;
	s5 =	simm.s32 $0xFFFFFFFF;
	p2 =	slt.u32 s8, $0xFFFFF086  }
0x1c: {  	p1 =	slt.u32 s9, $0xF7A;
	s5 =	simm.s32 @!p2 $0x0  }
0x1d: {  	s5 =	simm.s32 @p1 $0x1;
	p0 =	seq.s32 s7, s2  }
0x1e: {  	s7 =	smul.u32 @!p0 $0xF7A, s2;
	p2 =	seq.s32 @!p0 s5, $0x0  }
0x1f: {  	s9 =	smul.u32 $0xF7A, s1;
	s8 =	simm.s32 @!p0 $0x1BF5;
	p2 =	por !p2, p0  }
0x20: {  	[sflag:s8] =	ssyncset.s32 @!p0 $0xFFFFF086;
	s6 =	sadd.s32 @!p0 s3, s7;
	s7 =	simm.s32 @!p0 $0x108  }
0x21: {  	s3 =	sadd.s32 s3, s9;
	s6 =	sadd.s32 @!p0 $0x88, s6;
	s7 =	simm.s32 @p2 $0x1082  }
0x22: {  	[simem:s7], [sflag:s8] =	dma.local @!p0 [hbm:s6], $0xF7A  }
0x23: {  	s9 =	sor.u32 $0xD0000000, s2;
	s6 =	simm.s32 $0x108;
	_ =	swait.ge @!p0 [sflag:s8], $0x0  }
0x24: {  	s3 =	sadd.s32 $0x88, s3;
	s6 =	simm.s32 @!p1 $0x1082;
	[sflag:s4] =	ssyncset.s32 $0xFFFFF086  }
0x25: {  	[simem:s6], [sflag:s4] =	dma.local [hbm:s3], $0xF7A  }
0x26: {  	[smem:$0x3F9F] =	sst s1;
	(tag) =	ssettag s2;
	_ =	strace s9  }
0x27: {  	s1 =	sld [smem:$0x3FAF]  }
0x28: {  	s2 =	sld [smem:$0x3FB0]  }
0x29: {  	s4 =	sld [smem:$0x3FB2]  }
0x2a: {  	p0 =	seq.s32 s5, $0x0;
	s5 =	sld [smem:$0x3FB3]  }
0x2b: {  	s6 =	sld [smem:$0x3FB4]  }
0x2c: {  	s7 =	sld [smem:$0x3FB5]  }
0x2d: {  	s3 =	simm.s32 $0x108;
	s8 =	sld [smem:$0x3FB6]  }
0x2e: {  	s3 =	simm.s32 @!p0 $0x1082;
	s9 =	sld [smem:$0x3FB7]  }
0x2f: {  	lr =	sadd.s32 s0, s3;
	s0 =	sld [smem:$0x3FAE]  }
0x30: {  	s3 =	sld [smem:$0x3FB1]  }
0x31: {  	[smem:$0x3FBA] =	sst s10  }
0x32: {  	s10 =	sld [smem:$0x3FB8];
	_ =	sdelay $0x3  }
0x33: {  	p0 =	seq.s32 s10, $0x1;
	s10 =	sld [smem:$0x3FBA];
	_ =	sdelay $0x3  }
0x34: {  	[smem:$0x3FBA] =	sst s10  }
0x35: {  	s10 =	sld [smem:$0x3FB9];
	_ =	sdelay $0x3  }
0x36: {  	p1 =	seq.s32 s10, $0x1;
	s10 =	sld [smem:$0x3FBA];
	_ =	sdelay $0x3  }
0x37: {  	[smem:$0x3FBA] =	sst s10  }
0x38: {  	s10 =	sld [smem:$0x3FBB]  }
0x39: {  	_ = 	snop;
	(pc) =	sbr.ind lr, $3  }
0x3a: {  	_ = 	snop  }
0x3b: {  	_ = 	snop  }
0x3c: {  	p2 =	seq.s32 s10, $0x1;
	s10 =	sld [smem:$0x3FBA]  }
0x3d: {  	_ =	shalt  }
0x3e: {  	_ =	shalt  }
0x3f: {  	_ =	shalt  }
0x40: {  	_ =	shalt  }
0x41: {  	_ =	shalt  }
0x42: {  	_ =	shalt  }
0x43: {  	_ =	shalt  }
0x44: {  	_ =	shalt  }
0x45: {  	_ =	shalt  }
0x46: {  	_ =	shalt  }
0x47: {  	_ =	shalt  }
0x48: {  	_ =	shalt  }
0x49: {  	_ =	shalt  }
0x4a: {  	_ =	shalt  }
0x4b: {  	_ =	shalt  }
0x4c: {  	_ =	shalt  }
0x4d: {  	_ =	shalt  }
0x4e: {  	_ =	shalt  }
0x4f: {  	_ =	shalt  }
0x50: {  	_ =	shalt  }
0x51: {  	_ =	shalt  }
0x52: {  	_ =	shalt  }
0x53: {  	_ =	shalt  }
0x54: {  	_ =	shalt  }
0x55: {  	_ =	shalt  }
0x56: {  	_ =	shalt  }
0x57: {  	_ =	shalt  }
0x58: {  	_ =	shalt  }
0x59: {  	_ =	shalt  }
0x5a: {  	_ =	shalt  }
0x5b: {  	_ =	shalt  }
0x5c: {  	_ =	shalt  }
0x5d: {  	_ =	shalt  }
0x5e: {  	_ =	shalt  }
0x5f: {  	_ =	shalt  }
0x60: {  	_ =	shalt  }
0x61: {  	_ =	shalt  }
0x62: {  	_ =	shalt  }
0x63: {  	_ =	shalt  }
0x64: {  	_ =	shalt  }
0x65: {  	_ =	shalt  }
0x66: {  	_ =	shalt  }
0x67: {  	_ =	shalt  }
0x68: {  	_ =	shalt  }
0x69: {  	_ =	shalt  }
0x6a: {  	_ =	shalt  }
0x6b: {  	_ =	shalt  }
0x6c: {  	_ =	shalt  }
0x6d: {  	_ =	shalt  }
0x6e: {  	_ =	shalt  }
0x6f: {  	_ =	shalt  }
0x70: {  	_ =	shalt  }
0x71: {  	_ =	shalt  }
0x72: {  	_ =	shalt  }
0x73: {  	_ =	shalt  }
0x74: {  	_ =	shalt  }
0x75: {  	_ =	shalt  }
0x76: {  	_ =	shalt  }
0x77: {  	_ =	shalt  }
0x78: {  	_ =	shalt  }
0x79: {  	_ =	shalt  }
0x7a: {  	_ =	shalt  }
0x7b: {  	_ =	shalt  }
0x7c: {  	_ =	shalt  }
0x7d: {  	_ =	shalt  }
0x7e: {  	_ =	shalt  }
0x7f: {  	_ =	shalt  }
0x80: {  	_ =	shalt  }
0x81: {  	_ =	shalt  }
0x82: {  	_ =	shalt  }
0x83: {  	_ =	shalt  }
0x84: {  	_ =	shalt  }
0x85: {  	_ =	shalt  }
0x86: {  	_ =	shalt  }
0x87: {  	_ =	shalt  }
.Lfunc_end0:
.L_simem_size_0:
called_computation_lowered:
.L_overlay_start_0:
0x88: {  	s2 =	sld [smem:$0x3FD9]  }
0x89: {  	s3 =	sld [smem:$0x3FFE];
	_ =	sdelay $0x1  }
0x8a: {  	s1 =	srdreg.scid  }
0x8b: {  	s0 =	sand.u32 $0x1, s1  }
0x8c: {  	s17 =	sshll.u32 s0, $0xA;
	s2 =	sadd.s32 s3, s2  }
0x8d: {  	s2 =	sadd.s32 s2, s17  }
0x8e: {  	[smem:$0x3FC6] =	sst s2  }
0x8f: {  	_ = 	snop  }
0x90: {  	s2 =	sld [smem:$0x3FD0];
	(tm) =	ssettm $0x1  }
0x91: {  	s18 =	sld [smem:$0x3FFB];
	_ =	sdelay $0x3  }
0x92: {  	_ =	strace s18  }
0x93: {  	s3 =	sld [smem:$0x3FFC];
	_ =	sdelay $0x3  }
0x94: {  	_ =	strace s3  }
0x95: {  	s3 =	sld [smem:$0x3FFD];
	_ =	sdelay $0x3  }
0x96: {  	_ =	strace s3  }
0x97: {  	_ =	strace $0x8FFFFFFF  }
0x98: {  	s19 =	sld [smem:$0x3FDB];
	_ =	sdelay $0x1  }
0x99: {  	s4 =	simm.s32 $_scs_section_size  }
0x9a: {  	s5 =	simm.s32 $_size__tile_overlayer_lowered;
	s6 =	simm.s32 $_tile_overlayer_lowered  }
0x9b: {  	s22 =	simm.s32 $0x1BFF;
	s21 =	sshll.u32 s6, $0x1;
	s3 =	sadd.s32 s4, s19  }
0x9c: {  	s7 =	simm.s32 $0x0;
	s20 =	sshll.u32 s5, $0x1;
	s5 =	sadd.s32 s21, s3  }
0x9d: {  	[timem:s7], [sflag:s22] =	dma.local [hbm:s5], s20  }
0x9e: {  	_ =	swait.ge [sflag:s22], s20  }
0x9f: {  	s4 =	ssub.s32 $0x0, s20;
	[sflag:s22] =	ssyncset.done $0x0  }
0xa0: {  	[sflag:s22] =	ssyncadd.s32 s4;
	_ =	sdelay $0x1  }
0xa1: {  	s23 =	simm.s32 $0x1B8B  }
0xa2: {  	_ =	swait.ge [sflag:s23], $0x1  }
0xa3: {  	[sflag:s23] =	ssyncset.done $0x0  }
0xa4: {  	s25 =	simm.s32 $0x1B8E;
	s24 =	sld [smem:$0x3FFE];
	[sflag:s23] =	ssyncadd.s32 $0xFFFFFFFF  }
0xa5: {  	s26 =	simm.s32 $execute0_lowered;
	[smem:$0x3FD2] =	sst s25  }
0xa6: {  	s5 =	sshll.u32 s26, $0x1;
	_ =	strace $0x80000046;
	[dreg:$0x1] =	wrdreg $0xFFFFFFFF  }
0xa7: {  	s28 =	simm.s32 $_size_execute0_lowered;
	s3 =	sadd.s32 s3, s5;
	[dreg:$0x0] =	wrdreg $0x0  }
0xa8: {  	s5 =	sshll.u32 s28, $0x1;
	[dreg:$0x2] =	wrdreg s3  }
0xa9: {  	[dreg:$0x3] =	wrdreg s5  }
0xaa: {  	[dreg:$0x4] =	wrdreg $0xC0  }
0xab: {  	_ =	task [dreg:s7], $0x5FFFF  }
0xac: {  	[dreg:$0x1] =	wrdreg $0xFFFFFFFF  }
0xad: {  	[dreg:$0x0] =	wrdreg $0x60  }
0xae: {  	[dreg:$0x2] =	wrdreg s24  }
0xaf: {  	[dreg:$0x3] =	wrdreg s2  }
0xb0: {  	[dreg:$0x4] =	wrdreg $0x9  }
0xb1: {  	_ =	task.clear_ibuf [dreg:s7], $0x5FFFF;
	_ =	strace $0x90000046  }
0xb2: {  	s29 =	simm.s32 $0x9;
	_ =	strace $0x80000048  }
0xb3: {  	_ =	swait.ge [sflag:s29], $0x1  }
0xb4: {  	[sflag:s29] =	ssyncadd.s32 $0xFFFFFFFF  }
0xb5: {  	_ =	strace $0x90000048  }
0xb6: {  	_ =	sfence  }
0xb7: {  	s30 =	sld [smem:$0x0];
	_ =	sdelay $0x2  }
0xb8: {  	s31 =	sshll.u32 s1, $0xD;
	s1 =	sshrl.u32 s1, $0x2  }
0xb9: {  	s3 =	sand.u32 $0x4000, s31;
	s1 =	sadd.s32 s1, s30  }
0xba: {  	s0 =	sor.u32 s3, s0;
	s1 =	sshll.u32 s1, $0x11  }
0xbb: {  	s0 =	sor.u32 s1, s0  }
0xbc: {  	s0 =	sadd.s32 $0x8F2B, s0  }
0xbd: {  	[sflag:s0] =	ssyncadd.remote.s32 $0x1  }
0xbe: {  	_ =	sfence.sel $0xFFFF  }
0xbf: {  	[dreg:$0x0] =	wrdreg $0xFFFFFFFF;
	(pc) =	sbr.abs _section_cstart, $3  }
0xc0: {  	[dreg:$0x1] =	wrdreg $0xFFFFFFFF  }
0xc1: {  	_ =	task.clear_ibuf [dreg:s7], $0x2FFFF;
	_ =	strace $0x9FFFFFFF  }
0xc2: {  	(tm) =	ssettm $0x7FFFFFFF  }
0xc3: {  	_ =	shalt  }
tec
execute0_lowered:
.L_overlay_start_1:
0x0: {  	(tag) =	ssettag $0x1  }
0x1: {  	s4 =	rddreg [dreg:$0x0];
	s0 =	srdreg.scid  }
0x2: {  	s6 =	rddreg [dreg:$0x1];
	s1 =	stileid.u32;
	s5 =	sand.u32 $0x1, s0  }
0x3: {  	s2 =	simm.s32 $0x0;
	s8 =	simm.s32 $0x1;
	s3 =	sor.u32 s5, s1  }
0x4: {  	[smem:$0x7FF] =	sst s2;
	p1 =	seq.s32 s5, $0x1;
	p0 =	seq.s32 s3, $0x0  }
0x5: {  	s0 =	rddreg [dreg:$0x2];
	_ =	strace $0x80000047;
	p0 =	por !p0, !p1  }
0x6: {  	s7 =	ssub.s32 $0x2, s5;
	s24 =	sshll.u32 s5, $0xA;
	p0 =	por !p0, !p0  }
0x7: {  	s11 =	sshll.u32 s5, $0x15;
	s5 =	simm.s32 $0x1;
	s8 =	simm.s32 @!p0 $0x0  }
0x8: {  	s3 =	sadd.s32 $0x600, s4;
	s4 =	sadd.s32 $0x400, s4;
	s8 =	ssub.s32 s1, s8  }
0x9: {  	s9 =	sshrl.u32 s7, $0x1;
	[dreg:$0x3] =	wrdreg s24;
	s10 =	smul.u32 $0x13, s8  }
0xa: {  	s7 =	ssub.s32 s7, s9;
	s9 =	simm.s32 $0x0;
	s8 =	sshll.u32 s8, $0x16  }
0xb: {  	s8 =	sor.u32 s11, s8;
	s25 =	sadd.s32 $0x9, s10;
	s26 =	sadd.s32 $0xA, s10  }
0xc: {  	s12 =	sor.u32 $0x4000, s8;
	s13 =	sadd.s32 $0xB, s10;
	s14 =	sadd.s32 $0xC, s10  }
0xd: {  	s15 =	sadd.s32 $0xD, s10;
	s16 =	sadd.s32 $0xE, s10;
	s28 =	sadd.s32 $0xF, s10  }
0xe: {  	s8 =	sshrl.u32 s8, $0x3;
	s29 =	sadd.s32 $0x10, s10;
	s30 =	sadd.s32 $0x11, s10;
	v0 =	vmov s25  }
0xf: {  	s31 =	sadd.s32 $0x12, s10;
	s12 =	sshrl.u32 s12, $0x3;
	v1 =	vmov s26;
	v2 =	vmov s13;
	v3 =	vmov s14;
	s8 =	sadd.s32 s8, s6  }
0x10: {  	v4 =	vmov s15;
	v5 =	vmov s16;
	v6 =	vmov s28;
	s12 =	sadd.s32 s12, s6;
	s6 =	smax.u32 s7, $0x1;
	[dreg:$0x4] =	wrdreg s8  }
0x11: {  	v7 =	vmov s29;
	v8 =	vmov s30;
	v9 =	vmov s31;
	s7 =	simm.s32 $0x2;
	s8 =	simm.s32 $0x800;
	[dreg:$0x5] =	wrdreg s12  }
.LBB2_1:
0x12: {  	[tilespmem:s2], [sflag:$0x2] =	stream.linear.gather [hbm4b:s3+s2], $0x800, $0x38;
	[tilespmem:$0x8980] =	vst v63  }
0x13: {  	_ =	swait.ge [sflag:s7], $0x800  }
0x14: {  	[sflag:s7] =	ssyncset.done $0x0  }
0x15: {  	[sflag:s7] =	ssyncadd.s32 $0xFFFFF800  }
0x16: {  	[tilespmem:s8], [sflag:$0x2] =	stream.linear.gather [hbm4b:s4+s2], $0x180, $0x38;
	[tilespmem:$0x8980] =	vst v63  }
0x17: {  	_ =	swait.ge [sflag:s7], $0x180  }
0x18: {  	s10 =	simm.s32 $0x0;
	s11 =	simm.s32 $0x0;
	[sflag:s7] =	ssyncset.done $0x0  }
0x19: {  	s12 =	simm.s32 $0x0;
	s13 =	simm.s32 $0x0;
	[sflag:s7] =	ssyncadd.s32 $0xFFFFFE80  }
.LBB2_2:
0x1a: {  	v10 =	vld [tilespmem:s10+$0x0];
	_ =	sdelay $0x4  }
0x1b: {  	v11 =	vsub.s32 v0, v10;
	_ =	sdelay $0x4  }
0x1c: {  	v11 =	vld.idx.msk [tilespmem:v11+s8+$0x0], $0xffff  }
0x1d: {  	v12 =	vsub.s32 v1, v10;
	_ =	sdelay $0x1  }
0x1e: {  	s14 =	sand.u32 $0x70, s13;
	s15 =	sand.u32 $0x3C00, s12  }
0x1f: {  	s14 =	sor.u32 s14, s15  }
0x20: {  	[tilespmem:s14+$0x980] =	vst v11  }
0x21: {  	v11 =	vld.idx.msk [tilespmem:v12+s8+$0x0], $0xffff  }
0x22: {  	v57 =	vsub.s32 v2, v10;
	_ =	sdelay $0x3  }
0x23: {  	[tilespmem:s14+$0xA00] =	vst v11  }
0x24: {  	v11 =	vld.idx.msk [tilespmem:v57+s8+$0x0], $0xffff  }
0x25: {  	v58 =	vsub.s32 v3, v10;
	_ =	sdelay $0x3  }
0x26: {  	[tilespmem:s14+$0xA80] =	vst v11  }
0x27: {  	v11 =	vld.idx.msk [tilespmem:v58+s8+$0x0], $0xffff  }
0x28: {  	v59 =	vsub.s32 v4, v10;
	_ =	sdelay $0x3  }
0x29: {  	[tilespmem:s14+$0xB00] =	vst v11  }
0x2a: {  	v11 =	vld.idx.msk [tilespmem:v59+s8+$0x0], $0xffff  }
0x2b: {  	v60 =	vsub.s32 v5, v10;
	_ =	sdelay $0x3  }
0x2c: {  	[tilespmem:s14+$0xB80] =	vst v11  }
0x2d: {  	v11 =	vld.idx.msk [tilespmem:v60+s8+$0x0], $0xffff  }
0x2e: {  	v61 =	vsub.s32 v6, v10;
	_ =	sdelay $0x3  }
0x2f: {  	[tilespmem:s14+$0xC00] =	vst v11  }
0x30: {  	v11 =	vld.idx.msk [tilespmem:v61+s8+$0x0], $0xffff  }
0x31: {  	v62 =	vsub.s32 v7, v10;
	_ =	sdelay $0x3  }
0x32: {  	[tilespmem:s14+$0xC80] =	vst v11  }
0x33: {  	v11 =	vld.idx.msk [tilespmem:v62+s8+$0x0], $0xffff  }
0x34: {  	s31 =	sand.u32 $0x7, s11;
	v63 =	vsub.s32 v8, v10  }
0x35: {  	s15 =	sshll.u32 s31, $0x4  }
0x36: {  	s15 =	sadd.s32 s15, s12  }
0x37: {  	s15 =	sor.u32 $0x380, s15  }
0x38: {  	[tilespmem:s15+$0x980] =	vst v11  }
0x39: {  	v11 =	vld.idx.msk [tilespmem:v63+s8+$0x0], $0xffff  }
0x3a: {  	v10 =	vsub.s32 v9, v10;
	_ =	sdelay $0x3  }
0x3b: {  	[tilespmem:s14+$0x4980] =	vst v11  }
0x3c: {  	p0 =	sne.s32 s13, $0x7F0;
	v10 =	vld.idx.msk [tilespmem:v10+s8+$0x0], $0xffff  }
.Ltmp0:
0x3d: {  	_ = 	snop;
	(pc) =	sbr.rel @p0 .LBB2_2-.Ltmp0, $3  }
0x3e: {  	_ =	sdelay $0x1  }
0x3f: {  	s11 =	sadd.s32 $0x1, s11  }
0x40: {  	s10 =	sadd.s32 $0x10, s10;
	s13 =	sadd.s32 $0x10, s13;
	s12 =	sadd.s32 $0x80, s12;
	[tilespmem:s14+$0x4A00] =	vst v10  }
0x41: {  	s10 =	simm.s32 $0x0;
	s11 =	simm.s32 $0x0  }
.LBB2_4:
0x42: {  	s12 =	rddreg [dreg:$0x3]  }
0x43: {  	s12 =	sadd.s32 s10, s12  }
0x44: {  	s13 =	sand.u32 $0x70, s10;
	s12 =	sand.u32 $0x780, s12  }
0x45: {  	s12 =	sor.u32 s13, s12  }
0x46: {  	v10 =	vld [tilespmem:s12+$0x0];
	_ =	sdelay $0x4  }
0x47: {  	(v2sf) =	vpush v10, $0x0;
	_ =	sdelay $0xe  }
0x48: {  	s21 =	spop (v2sf)  }
0x49: {  	s14 =	sshll.u32 s21, $0xB;
	s12 =	sshll.u32 s21, $0x7  }
0x4a: {  	s14 =	sand.u32 $0xFFFFC000, s14;
	s12 =	sand.u32 $0x380, s12  }
0x4b: {  	s22 =	rddreg [dreg:$0x4];
	s14 =	sor.u32 s12, s14  }
0x4c: {  	s12 =	sadd.s32 s11, s22;
	s23 =	sadd.s32 $0x980, s14  }
0x4d: {  	[hbm4b:s12+s2] =	stream.linear.scatter [tilespmem:s23], [sflag:$0x1], $0x80, $0x38;
	[tilespmem:$0x8980] =	vst v63  }
0x4e: {  	s24 =	sadd.s32 $0xD80, s14;
	s15 =	sadd.s32 $0x80, s12  }
0x4f: {  	[hbm4b:s15+s2] =	stream.linear.scatter [tilespmem:s24], [sflag:$0x1], $0x80, $0x38;
	[tilespmem:$0x8980] =	vst v63  }
0x50: {  	s25 =	sadd.s32 $0x1180, s14;
	s26 =	sadd.s32 $0x100, s12  }
0x51: {  	[hbm4b:s26+s2] =	stream.linear.scatter [tilespmem:s25], [sflag:$0x1], $0x80, $0x38;
	[tilespmem:$0x8980] =	vst v63  }
0x52: {  	s28 =	sadd.s32 $0x1580, s14;
	s29 =	sadd.s32 $0x180, s12  }
0x53: {  	[hbm4b:s29+s2] =	stream.linear.scatter [tilespmem:s28], [sflag:$0x1], $0x80, $0x38;
	[tilespmem:$0x8980] =	vst v63  }
0x54: {  	s30 =	sadd.s32 $0x1980, s14;
	s31 =	sadd.s32 $0x200, s12  }
0x55: {  	(v2sf) =	vpush v10, $0x1;
	[hbm4b:s31+s2] =	stream.linear.scatter [tilespmem:s30], [sflag:$0x1], $0x80, $0x38;
	[tilespmem:$0x8980] =	vst v63  }
0x56: {  	s16 =	sadd.s32 $0x280, s12;
	s15 =	sadd.s32 $0x1D80, s14  }
0x57: {  	[hbm4b:s16+s2] =	stream.linear.scatter [tilespmem:s15], [sflag:$0x1], $0x80, $0x38;
	[tilespmem:$0x8980] =	vst v63  }
0x58: {  	s17 =	sadd.s32 $0x2180, s14;
	s18 =	sadd.s32 $0x300, s12  }
0x59: {  	[hbm4b:s18+s2] =	stream.linear.scatter [tilespmem:s17], [sflag:$0x1], $0x80, $0x38;
	[tilespmem:$0x8980] =	vst v63  }
0x5a: {  	s19 =	sadd.s32 $0x2580, s14;
	s20 =	sadd.s32 $0x380, s12  }
0x5b: {  	[hbm4b:s20+s2] =	stream.linear.scatter [tilespmem:s19], [sflag:$0x1], $0x80, $0x38;
	[tilespmem:$0x8980] =	vst v63  }
0x5c: {  	s21 =	sadd.s32 $0x2980, s14;
	s22 =	sadd.s32 $0x400, s12  }
0x5d: {  	[hbm4b:s22+s2] =	stream.linear.scatter [tilespmem:s21], [sflag:$0x1], $0x80, $0x38;
	[tilespmem:$0x8980] =	vst v63  }
0x5e: {  	s23 =	sadd.s32 $0x2D80, s14;
	s24 =	sadd.s32 $0x480, s12;
	s25 =	sadd.s32 $0x3180, s14  }
0x5f: {  	[hbm4b:s24+s2] =	stream.linear.scatter [tilespmem:s23], [sflag:$0x1], $0x80, $0x38;
	[tilespmem:$0x8980] =	vst v63  }
0x60: {  	s26 =	sadd.s32 $0x500, s12;
	s28 =	sadd.s32 $0x3580, s14;
	s29 =	sadd.s32 $0x580, s12  }
0x61: {  	[hbm4b:s26+s2] =	stream.linear.scatter [tilespmem:s25], [sflag:$0x1], $0x80, $0x38;
	[tilespmem:$0x8980] =	vst v63  }
0x62: {  	s30 =	sadd.s32 $0x3980, s14;
	s31 =	sadd.s32 $0x600, s12;
	s15 =	sadd.s32 $0x3D80, s14  }
0x63: {  	[hbm4b:s29+s2] =	stream.linear.scatter [tilespmem:s28], [sflag:$0x1], $0x80, $0x38;
	[tilespmem:$0x8980] =	vst v63  }
0x64: {  	s16 =	sadd.s32 $0x680, s12;
	s17 =	sadd.s32 $0x4180, s14;
	s21 =	spop (v2sf)  }
0x65: {  	[hbm4b:s31+s2] =	stream.linear.scatter [tilespmem:s30], [sflag:$0x1], $0x80, $0x38;
	[tilespmem:$0x8980] =	vst v63  }
0x66: {  	s18 =	sadd.s32 $0x700, s12;
	s22 =	sshll.u32 s21, $0xB;
	s13 =	sshll.u32 s21, $0x7  }
0x67: {  	[hbm4b:s16+s2] =	stream.linear.scatter [tilespmem:s15], [sflag:$0x1], $0x80, $0x38;
	[tilespmem:$0x8980] =	vst v63  }
0x68: {  	s19 =	sadd.s32 $0x4580, s14;
	s14 =	sand.u32 $0xFFFFC000, s22;
	s13 =	sand.u32 $0x380, s13  }
0x69: {  	[hbm4b:s18+s2] =	stream.linear.scatter [tilespmem:s17], [sflag:$0x1], $0x80, $0x38;
	[tilespmem:$0x8980] =	vst v63  }
0x6a: {  	s20 =	sadd.s32 $0x780, s12;
	s13 =	sor.u32 s13, s14  }
0x6b: {  	[hbm4b:s20+s2] =	stream.linear.scatter [tilespmem:s19], [sflag:$0x1], $0x80, $0x38;
	[tilespmem:$0x8980] =	vst v63  }
0x6c: {  	s23 =	sadd.s32 $0x10, s12;
	s24 =	sadd.s32 $0x980, s13  }
0x6d: {  	[hbm4b:s23+s2] =	stream.linear.scatter [tilespmem:s24], [sflag:$0x1], $0x80, $0x38;
	[tilespmem:$0x8980] =	vst v63  }
0x6e: {  	s25 =	sadd.s32 $0xD80, s13;
	s26 =	sadd.s32 $0x90, s12  }
0x6f: {  	[hbm4b:s26+s2] =	stream.linear.scatter [tilespmem:s25], [sflag:$0x1], $0x80, $0x38;
	[tilespmem:$0x8980] =	vst v63  }
0x70: {  	s28 =	sadd.s32 $0x1180, s13;
	s29 =	sadd.s32 $0x110, s12  }
0x71: {  	[hbm4b:s29+s2] =	stream.linear.scatter [tilespmem:s28], [sflag:$0x1], $0x80, $0x38;
	[tilespmem:$0x8980] =	vst v63  }
0x72: {  	s30 =	sadd.s32 $0x1580, s13;
	s31 =	sadd.s32 $0x190, s12  }
0x73: {  	[hbm4b:s31+s2] =	stream.linear.scatter [tilespmem:s30], [sflag:$0x1], $0x80, $0x38;
	[tilespmem:$0x8980] =	vst v63  }
0x74: {  	s15 =	sadd.s32 $0x1980, s13;
	s16 =	sadd.s32 $0x210, s12  }
0x75: {  	[hbm4b:s16+s2] =	stream.linear.scatter [tilespmem:s15], [sflag:$0x1], $0x80, $0x38;
	[tilespmem:$0x8980] =	vst v63  }
0x76: {  	s17 =	sadd.s32 $0x1D80, s13;
	s18 =	sadd.s32 $0x290, s12  }
0x77: {  	[hbm4b:s18+s2] =	stream.linear.scatter [tilespmem:s17], [sflag:$0x1], $0x80, $0x38;
	[tilespmem:$0x8980] =	vst v63  }
0x78: {  	s19 =	sadd.s32 $0x2180, s13;
	s20 =	sadd.s32 $0x310, s12  }
0x79: {  	[hbm4b:s20+s2] =	stream.linear.scatter [tilespmem:s19], [sflag:$0x1], $0x80, $0x38;
	[tilespmem:$0x8980] =	vst v63  }
0x7a: {  	s22 =	sadd.s32 $0x390, s12;
	s21 =	sadd.s32 $0x2580, s13  }
0x7b: {  	(v2sf) =	vpush v10, $0x2;
	[hbm4b:s22+s2] =	stream.linear.scatter [tilespmem:s21], [sflag:$0x1], $0x80, $0x38;
	[tilespmem:$0x8980] =	vst v63  }
0x7c: {  	s23 =	sadd.s32 $0x2980, s13;
	s24 =	sadd.s32 $0x410, s12  }
0x7d: {  	[hbm4b:s24+s2] =	stream.linear.scatter [tilespmem:s23], [sflag:$0x1], $0x80, $0x38;
	[tilespmem:$0x8980] =	vst v63  }
0x7e: {  	s25 =	sadd.s32 $0x2D80, s13;
	s26 =	sadd.s32 $0x490, s12  }
0x7f: {  	[hbm4b:s26+s2] =	stream.linear.scatter [tilespmem:s25], [sflag:$0x1], $0x80, $0x38;
	[tilespmem:$0x8980] =	vst v63  }
0x80: {  	s28 =	sadd.s32 $0x3180, s13;
	s29 =	sadd.s32 $0x510, s12  }
0x81: {  	[hbm4b:s29+s2] =	stream.linear.scatter [tilespmem:s28], [sflag:$0x1], $0x80, $0x38;
	[tilespmem:$0x8980] =	vst v63  }
0x82: {  	s30 =	sadd.s32 $0x3580, s13;
	s31 =	sadd.s32 $0x590, s12  }
0x83: {  	[hbm4b:s31+s2] =	stream.linear.scatter [tilespmem:s30], [sflag:$0x1], $0x80, $0x38;
	[tilespmem:$0x8980] =	vst v63  }
0x84: {  	s16 =	sadd.s32 $0x3980, s13;
	s17 =	sadd.s32 $0x610, s12  }
0x85: {  	[hbm4b:s17+s2] =	stream.linear.scatter [tilespmem:s16], [sflag:$0x1], $0x80, $0x38;
	[tilespmem:$0x8980] =	vst v63  }
0x86: {  	s18 =	sadd.s32 $0x3D80, s13;
	s19 =	sadd.s32 $0x690, s12  }
0x87: {  	[hbm4b:s19+s2] =	stream.linear.scatter [tilespmem:s18], [sflag:$0x1], $0x80, $0x38;
	[tilespmem:$0x8980] =	vst v63  }
0x88: {  	s20 =	sadd.s32 $0x4180, s13;
	s21 =	sadd.s32 $0x710, s12  }
0x89: {  	[hbm4b:s21+s2] =	stream.linear.scatter [tilespmem:s20], [sflag:$0x1], $0x80, $0x38;
	[tilespmem:$0x8980] =	vst v63  }
0x8a: {  	s13 =	sadd.s32 $0x4580, s13;
	s22 =	sadd.s32 $0x790, s12;
	s23 =	spop (v2sf)  }
0x8b: {  	[hbm4b:s22+s2] =	stream.linear.scatter [tilespmem:s13], [sflag:$0x1], $0x80, $0x38;
	[tilespmem:$0x8980] =	vst v63  }
0x8c: {  	s24 =	sshll.u32 s23, $0xB;
	s13 =	sshll.u32 s23, $0x7  }
0x8d: {  	s14 =	sand.u32 $0xFFFFC000, s24;
	s13 =	sand.u32 $0x380, s13  }
0x8e: {  	s13 =	sor.u32 s13, s14  }
0x8f: {  	s25 =	sadd.s32 $0x20, s12;
	s26 =	sadd.s32 $0x980, s13  }
0x90: {  	[hbm4b:s25+s2] =	stream.linear.scatter [tilespmem:s26], [sflag:$0x1], $0x80, $0x38;
	[tilespmem:$0x8980] =	vst v63  }
0x91: {  	s29 =	sadd.s32 $0xA0, s12;
	s28 =	sadd.s32 $0xD80, s13  }
0x92: {  	[hbm4b:s29+s2] =	stream.linear.scatter [tilespmem:s28], [sflag:$0x1], $0x80, $0x38;
	[tilespmem:$0x8980] =	vst v63  }
0x93: {  	s31 =	sadd.s32 $0x120, s12;
	s30 =	sadd.s32 $0x1180, s13  }
0x94: {  	[hbm4b:s31+s2] =	stream.linear.scatter [tilespmem:s30], [sflag:$0x1], $0x80, $0x38;
	[tilespmem:$0x8980] =	vst v63  }
0x95: {  	s16 =	sadd.s32 $0x1A0, s12;
	s15 =	sadd.s32 $0x1580, s13  }
0x96: {  	[hbm4b:s16+s2] =	stream.linear.scatter [tilespmem:s15], [sflag:$0x1], $0x80, $0x38;
	[tilespmem:$0x8980] =	vst v63  }
0x97: {  	s18 =	sadd.s32 $0x220, s12;
	s17 =	sadd.s32 $0x1980, s13  }
0x98: {  	[hbm4b:s18+s2] =	stream.linear.scatter [tilespmem:s17], [sflag:$0x1], $0x80, $0x38;
	[tilespmem:$0x8980] =	vst v63  }
0x99: {  	s20 =	sadd.s32 $0x2A0, s12;
	s19 =	sadd.s32 $0x1D80, s13  }
0x9a: {  	[hbm4b:s20+s2] =	stream.linear.scatter [tilespmem:s19], [sflag:$0x1], $0x80, $0x38;
	[tilespmem:$0x8980] =	vst v63  }
0x9b: {  	s22 =	sadd.s32 $0x320, s12;
	s21 =	sadd.s32 $0x2180, s13  }
0x9c: {  	[hbm4b:s22+s2] =	stream.linear.scatter [tilespmem:s21], [sflag:$0x1], $0x80, $0x38;
	[tilespmem:$0x8980] =	vst v63  }
0x9d: {  	s24 =	sadd.s32 $0x3A0, s12;
	s23 =	sadd.s32 $0x2580, s13  }
0x9e: {  	(v2sf) =	vpush v10, $0x3;
	[hbm4b:s24+s2] =	stream.linear.scatter [tilespmem:s23], [sflag:$0x1], $0x80, $0x38;
	[tilespmem:$0x8980] =	vst v63  }
0x9f: {  	s25 =	sadd.s32 $0x2980, s13;
	s26 =	sadd.s32 $0x420, s12  }
0xa0: {  	[hbm4b:s26+s2] =	stream.linear.scatter [tilespmem:s25], [sflag:$0x1], $0x80, $0x38;
	[tilespmem:$0x8980] =	vst v63  }
0xa1: {  	s28 =	sadd.s32 $0x2D80, s13;
	s29 =	sadd.s32 $0x4A0, s12  }
0xa2: {  	[hbm4b:s29+s2] =	stream.linear.scatter [tilespmem:s28], [sflag:$0x1], $0x80, $0x38;
	[tilespmem:$0x8980] =	vst v63  }
0xa3: {  	s30 =	sadd.s32 $0x3180, s13;
	s31 =	sadd.s32 $0x520, s12  }
0xa4: {  	[hbm4b:s31+s2] =	stream.linear.scatter [tilespmem:s30], [sflag:$0x1], $0x80, $0x38;
	[tilespmem:$0x8980] =	vst v63  }
0xa5: {  	s16 =	sadd.s32 $0x3580, s13;
	s17 =	sadd.s32 $0x5A0, s12  }
0xa6: {  	[hbm4b:s17+s2] =	stream.linear.scatter [tilespmem:s16], [sflag:$0x1], $0x80, $0x38;
	[tilespmem:$0x8980] =	vst v63  }
0xa7: {  	s18 =	sadd.s32 $0x3980, s13;
	s19 =	sadd.s32 $0x620, s12  }
0xa8: {  	[hbm4b:s19+s2] =	stream.linear.scatter [tilespmem:s18], [sflag:$0x1], $0x80, $0x38;
	[tilespmem:$0x8980] =	vst v63  }
0xa9: {  	s20 =	sadd.s32 $0x3D80, s13;
	s21 =	sadd.s32 $0x6A0, s12  }
0xaa: {  	[hbm4b:s21+s2] =	stream.linear.scatter [tilespmem:s20], [sflag:$0x1], $0x80, $0x38;
	[tilespmem:$0x8980] =	vst v63  }
0xab: {  	s22 =	sadd.s32 $0x4180, s13;
	s23 =	sadd.s32 $0x720, s12  }
0xac: {  	[hbm4b:s23+s2] =	stream.linear.scatter [tilespmem:s22], [sflag:$0x1], $0x80, $0x38;
	[tilespmem:$0x8980] =	vst v63  }
0xad: {  	s13 =	sadd.s32 $0x4580, s13;
	s24 =	sadd.s32 $0x7A0, s12;
	s25 =	spop (v2sf)  }
0xae: {  	[hbm4b:s24+s2] =	stream.linear.scatter [tilespmem:s13], [sflag:$0x1], $0x80, $0x38;
	[tilespmem:$0x8980] =	vst v63  }
0xaf: {  	s26 =	sshll.u32 s25, $0xB;
	s13 =	sshll.u32 s25, $0x7  }
0xb0: {  	s14 =	sand.u32 $0xFFFFC000, s26;
	s13 =	sand.u32 $0x380, s13  }
0xb1: {  	s13 =	sor.u32 s13, s14  }
0xb2: {  	s28 =	sadd.s32 $0x30, s12;
	s29 =	sadd.s32 $0x980, s13  }
0xb3: {  	[hbm4b:s28+s2] =	stream.linear.scatter [tilespmem:s29], [sflag:$0x1], $0x80, $0x38;
	[tilespmem:$0x8980] =	vst v63  }
0xb4: {  	s31 =	sadd.s32 $0xB0, s12;
	s30 =	sadd.s32 $0xD80, s13  }
0xb5: {  	[hbm4b:s31+s2] =	stream.linear.scatter [tilespmem:s30], [sflag:$0x1], $0x80, $0x38;
	[tilespmem:$0x8980] =	vst v63  }
0xb6: {  	s16 =	sadd.s32 $0x130, s12;
	s15 =	sadd.s32 $0x1180, s13  }
0xb7: {  	[hbm4b:s16+s2] =	stream.linear.scatter [tilespmem:s15], [sflag:$0x1], $0x80, $0x38;
	[tilespmem:$0x8980] =	vst v63  }
0xb8: {  	s18 =	sadd.s32 $0x1B0, s12;
	s17 =	sadd.s32 $0x1580, s13  }
0xb9: {  	[hbm4b:s18+s2] =	stream.linear.scatter [tilespmem:s17], [sflag:$0x1], $0x80, $0x38;
	[tilespmem:$0x8980] =	vst v63  }
0xba: {  	s20 =	sadd.s32 $0x230, s12;
	s19 =	sadd.s32 $0x1980, s13  }
0xbb: {  	[hbm4b:s20+s2] =	stream.linear.scatter [tilespmem:s19], [sflag:$0x1], $0x80, $0x38;
	[tilespmem:$0x8980] =	vst v63  }
0xbc: {  	s22 =	sadd.s32 $0x2B0, s12;
	s21 =	sadd.s32 $0x1D80, s13  }
0xbd: {  	[hbm4b:s22+s2] =	stream.linear.scatter [tilespmem:s21], [sflag:$0x1], $0x80, $0x38;
	[tilespmem:$0x8980] =	vst v63  }
0xbe: {  	s24 =	sadd.s32 $0x330, s12;
	s23 =	sadd.s32 $0x2180, s13  }
0xbf: {  	[hbm4b:s24+s2] =	stream.linear.scatter [tilespmem:s23], [sflag:$0x1], $0x80, $0x38;
	[tilespmem:$0x8980] =	vst v63  }
0xc0: {  	s26 =	sadd.s32 $0x3B0, s12;
	s25 =	sadd.s32 $0x2580, s13  }
0xc1: {  	(v2sf) =	vpush v10, $0x4;
	[hbm4b:s26+s2] =	stream.linear.scatter [tilespmem:s25], [sflag:$0x1], $0x80, $0x38;
	[tilespmem:$0x8980] =	vst v63  }
0xc2: {  	s28 =	sadd.s32 $0x2980, s13;
	s29 =	sadd.s32 $0x430, s12  }
0xc3: {  	[hbm4b:s29+s2] =	stream.linear.scatter [tilespmem:s28], [sflag:$0x1], $0x80, $0x38;
	[tilespmem:$0x8980] =	vst v63  }
0xc4: {  	s30 =	sadd.s32 $0x2D80, s13;
	s31 =	sadd.s32 $0x4B0, s12  }
0xc5: {  	[hbm4b:s31+s2] =	stream.linear.scatter [tilespmem:s30], [sflag:$0x1], $0x80, $0x38;
	[tilespmem:$0x8980] =	vst v63  }
0xc6: {  	s16 =	sadd.s32 $0x3180, s13;
	s17 =	sadd.s32 $0x530, s12  }
0xc7: {  	[hbm4b:s17+s2] =	stream.linear.scatter [tilespmem:s16], [sflag:$0x1], $0x80, $0x38;
	[tilespmem:$0x8980] =	vst v63  }
0xc8: {  	s18 =	sadd.s32 $0x3580, s13;
	s19 =	sadd.s32 $0x5B0, s12  }
0xc9: {  	[hbm4b:s19+s2] =	stream.linear.scatter [tilespmem:s18], [sflag:$0x1], $0x80, $0x38;
	[tilespmem:$0x8980] =	vst v63  }
0xca: {  	s20 =	sadd.s32 $0x3980, s13;
	s21 =	sadd.s32 $0x630, s12  }
0xcb: {  	[hbm4b:s21+s2] =	stream.linear.scatter [tilespmem:s20], [sflag:$0x1], $0x80, $0x38;
	[tilespmem:$0x8980] =	vst v63  }
0xcc: {  	s22 =	sadd.s32 $0x3D80, s13;
	s23 =	sadd.s32 $0x6B0, s12  }
0xcd: {  	[hbm4b:s23+s2] =	stream.linear.scatter [tilespmem:s22], [sflag:$0x1], $0x80, $0x38;
	[tilespmem:$0x8980] =	vst v63  }
0xce: {  	s24 =	sadd.s32 $0x4180, s13;
	s25 =	sadd.s32 $0x730, s12  }
0xcf: {  	[hbm4b:s25+s2] =	stream.linear.scatter [tilespmem:s24], [sflag:$0x1], $0x80, $0x38;
	[tilespmem:$0x8980] =	vst v63  }
0xd0: {  	s13 =	sadd.s32 $0x4580, s13;
	s26 =	sadd.s32 $0x7B0, s12;
	s28 =	spop (v2sf)  }
0xd1: {  	[hbm4b:s26+s2] =	stream.linear.scatter [tilespmem:s13], [sflag:$0x1], $0x80, $0x38;
	[tilespmem:$0x8980] =	vst v63  }
0xd2: {  	s29 =	sshll.u32 s28, $0xB;
	s13 =	sshll.u32 s28, $0x7  }
0xd3: {  	s14 =	sand.u32 $0xFFFFC000, s29;
	s13 =	sand.u32 $0x380, s13  }
0xd4: {  	s13 =	sor.u32 s13, s14  }
0xd5: {  	s30 =	sadd.s32 $0x40, s12;
	s31 =	sadd.s32 $0x980, s13  }
0xd6: {  	[hbm4b:s30+s2] =	stream.linear.scatter [tilespmem:s31], [sflag:$0x1], $0x80, $0x38;
	[tilespmem:$0x8980] =	vst v63  }
0xd7: {  	s16 =	sadd.s32 $0xC0, s12;
	s15 =	sadd.s32 $0xD80, s13  }
0xd8: {  	[hbm4b:s16+s2] =	stream.linear.scatter [tilespmem:s15], [sflag:$0x1], $0x80, $0x38;
	[tilespmem:$0x8980] =	vst v63  }
0xd9: {  	s18 =	sadd.s32 $0x140, s12;
	s17 =	sadd.s32 $0x1180, s13  }
0xda: {  	[hbm4b:s18+s2] =	stream.linear.scatter [tilespmem:s17], [sflag:$0x1], $0x80, $0x38;
	[tilespmem:$0x8980] =	vst v63  }
0xdb: {  	s20 =	sadd.s32 $0x1C0, s12;
	s19 =	sadd.s32 $0x1580, s13  }
0xdc: {  	[hbm4b:s20+s2] =	stream.linear.scatter [tilespmem:s19], [sflag:$0x1], $0x80, $0x38;
	[tilespmem:$0x8980] =	vst v63  }
0xdd: {  	s22 =	sadd.s32 $0x240, s12;
	s21 =	sadd.s32 $0x1980, s13  }
0xde: {  	[hbm4b:s22+s2] =	stream.linear.scatter [tilespmem:s21], [sflag:$0x1], $0x80, $0x38;
	[tilespmem:$0x8980] =	vst v63  }
0xdf: {  	s24 =	sadd.s32 $0x2C0, s12;
	s23 =	sadd.s32 $0x1D80, s13  }
0xe0: {  	[hbm4b:s24+s2] =	stream.linear.scatter [tilespmem:s23], [sflag:$0x1], $0x80, $0x38;
	[tilespmem:$0x8980] =	vst v63  }
0xe1: {  	s26 =	sadd.s32 $0x340, s12;
	s25 =	sadd.s32 $0x2180, s13  }
0xe2: {  	[hbm4b:s26+s2] =	stream.linear.scatter [tilespmem:s25], [sflag:$0x1], $0x80, $0x38;
	[tilespmem:$0x8980] =	vst v63  }
0xe3: {  	s29 =	sadd.s32 $0x3C0, s12;
	s28 =	sadd.s32 $0x2580, s13  }
0xe4: {  	(v2sf) =	vpush v10, $0x5;
	[hbm4b:s29+s2] =	stream.linear.scatter [tilespmem:s28], [sflag:$0x1], $0x80, $0x38;
	[tilespmem:$0x8980] =	vst v63  }
0xe5: {  	s30 =	sadd.s32 $0x2980, s13;
	s31 =	sadd.s32 $0x440, s12  }
0xe6: {  	[hbm4b:s31+s2] =	stream.linear.scatter [tilespmem:s30], [sflag:$0x1], $0x80, $0x38;
	[tilespmem:$0x8980] =	vst v63  }
0xe7: {  	s16 =	sadd.s32 $0x2D80, s13;
	s17 =	sadd.s32 $0x4C0, s12  }
0xe8: {  	[hbm4b:s17+s2] =	stream.linear.scatter [tilespmem:s16], [sflag:$0x1], $0x80, $0x38;
	[tilespmem:$0x8980] =	vst v63  }
0xe9: {  	s18 =	sadd.s32 $0x3180, s13;
	s19 =	sadd.s32 $0x540, s12  }
0xea: {  	[hbm4b:s19+s2] =	stream.linear.scatter [tilespmem:s18], [sflag:$0x1], $0x80, $0x38;
	[tilespmem:$0x8980] =	vst v63  }
0xeb: {  	s20 =	sadd.s32 $0x3580, s13;
	s21 =	sadd.s32 $0x5C0, s12  }
0xec: {  	[hbm4b:s21+s2] =	stream.linear.scatter [tilespmem:s20], [sflag:$0x1], $0x80, $0x38;
	[tilespmem:$0x8980] =	vst v63  }
0xed: {  	s22 =	sadd.s32 $0x3980, s13;
	s23 =	sadd.s32 $0x640, s12  }
0xee: {  	[hbm4b:s23+s2] =	stream.linear.scatter [tilespmem:s22], [sflag:$0x1], $0x80, $0x38;
	[tilespmem:$0x8980] =	vst v63  }
0xef: {  	s24 =	sadd.s32 $0x3D80, s13;
	s25 =	sadd.s32 $0x6C0, s12  }
0xf0: {  	[hbm4b:s25+s2] =	stream.linear.scatter [tilespmem:s24], [sflag:$0x1], $0x80, $0x38;
	[tilespmem:$0x8980] =	vst v63  }
0xf1: {  	s26 =	sadd.s32 $0x4180, s13;
	s28 =	sadd.s32 $0x740, s12  }
0xf2: {  	[hbm4b:s28+s2] =	stream.linear.scatter [tilespmem:s26], [sflag:$0x1], $0x80, $0x38;
	[tilespmem:$0x8980] =	vst v63  }
0xf3: {  	s13 =	sadd.s32 $0x4580, s13;
	s29 =	sadd.s32 $0x7C0, s12;
	s30 =	spop (v2sf)  }
0xf4: {  	[hbm4b:s29+s2] =	stream.linear.scatter [tilespmem:s13], [sflag:$0x1], $0x80, $0x38;
	[tilespmem:$0x8980] =	vst v63  }
0xf5: {  	s31 =	sshll.u32 s30, $0xB;
	s13 =	sshll.u32 s30, $0x7  }
0xf6: {  	s14 =	sand.u32 $0xFFFFC000, s31;
	s13 =	sand.u32 $0x380, s13  }
0xf7: {  	s13 =	sor.u32 s13, s14  }
0xf8: {  	s15 =	sadd.s32 $0x50, s12;
	s16 =	sadd.s32 $0x980, s13  }
0xf9: {  	[hbm4b:s15+s2] =	stream.linear.scatter [tilespmem:s16], [sflag:$0x1], $0x80, $0x38;
	[tilespmem:$0x8980] =	vst v63  }
0xfa: {  	s18 =	sadd.s32 $0xD0, s12;
	s17 =	sadd.s32 $0xD80, s13  }
0xfb: {  	[hbm4b:s18+s2] =	stream.linear.scatter [tilespmem:s17], [sflag:$0x1], $0x80, $0x38;
	[tilespmem:$0x8980] =	vst v63  }
0xfc: {  	s20 =	sadd.s32 $0x150, s12;
	s19 =	sadd.s32 $0x1180, s13  }
0xfd: {  	[hbm4b:s20+s2] =	stream.linear.scatter [tilespmem:s19], [sflag:$0x1], $0x80, $0x38;
	[tilespmem:$0x8980] =	vst v63  }
0xfe: {  	s22 =	sadd.s32 $0x1D0, s12;
	s21 =	sadd.s32 $0x1580, s13  }
0xff: {  	[hbm4b:s22+s2] =	stream.linear.scatter [tilespmem:s21], [sflag:$0x1], $0x80, $0x38;
	[tilespmem:$0x8980] =	vst v63  }
0x100: {  	s24 =	sadd.s32 $0x250, s12;
	s23 =	sadd.s32 $0x1980, s13  }
0x101: {  	[hbm4b:s24+s2] =	stream.linear.scatter [tilespmem:s23], [sflag:$0x1], $0x80, $0x38;
	[tilespmem:$0x8980] =	vst v63  }
0x102: {  	s26 =	sadd.s32 $0x2D0, s12;
	s25 =	sadd.s32 $0x1D80, s13  }
0x103: {  	[hbm4b:s26+s2] =	stream.linear.scatter [tilespmem:s25], [sflag:$0x1], $0x80, $0x38;
	[tilespmem:$0x8980] =	vst v63  }
0x104: {  	s29 =	sadd.s32 $0x350, s12;
	s28 =	sadd.s32 $0x2180, s13  }
0x105: {  	[hbm4b:s29+s2] =	stream.linear.scatter [tilespmem:s28], [sflag:$0x1], $0x80, $0x38;
	[tilespmem:$0x8980] =	vst v63  }
0x106: {  	s31 =	sadd.s32 $0x3D0, s12;
	s30 =	sadd.s32 $0x2580, s13  }
0x107: {  	(v2sf) =	vpush v10, $0x6;
	[hbm4b:s31+s2] =	stream.linear.scatter [tilespmem:s30], [sflag:$0x1], $0x80, $0x38;
	[tilespmem:$0x8980] =	vst v63  }
0x108: {  	s16 =	sadd.s32 $0x2980, s13;
	s17 =	sadd.s32 $0x450, s12  }
0x109: {  	[hbm4b:s17+s2] =	stream.linear.scatter [tilespmem:s16], [sflag:$0x1], $0x80, $0x38;
	[tilespmem:$0x8980] =	vst v63  }
0x10a: {  	s18 =	sadd.s32 $0x2D80, s13;
	s19 =	sadd.s32 $0x4D0, s12  }
0x10b: {  	[hbm4b:s19+s2] =	stream.linear.scatter [tilespmem:s18], [sflag:$0x1], $0x80, $0x38;
	[tilespmem:$0x8980] =	vst v63  }
0x10c: {  	s20 =	sadd.s32 $0x3180, s13;
	s21 =	sadd.s32 $0x550, s12  }
0x10d: {  	[hbm4b:s21+s2] =	stream.linear.scatter [tilespmem:s20], [sflag:$0x1], $0x80, $0x38;
	[tilespmem:$0x8980] =	vst v63  }
0x10e: {  	s22 =	sadd.s32 $0x3580, s13;
	s23 =	sadd.s32 $0x5D0, s12  }
0x10f: {  	[hbm4b:s23+s2] =	stream.linear.scatter [tilespmem:s22], [sflag:$0x1], $0x80, $0x38;
	[tilespmem:$0x8980] =	vst v63  }
0x110: {  	s24 =	sadd.s32 $0x3980, s13;
	s25 =	sadd.s32 $0x650, s12  }
0x111: {  	[hbm4b:s25+s2] =	stream.linear.scatter [tilespmem:s24], [sflag:$0x1], $0x80, $0x38;
	[tilespmem:$0x8980] =	vst v63  }
0x112: {  	s26 =	sadd.s32 $0x3D80, s13;
	s28 =	sadd.s32 $0x6D0, s12  }
0x113: {  	[hbm4b:s28+s2] =	stream.linear.scatter [tilespmem:s26], [sflag:$0x1], $0x80, $0x38;
	[tilespmem:$0x8980] =	vst v63  }
0x114: {  	s29 =	sadd.s32 $0x4180, s13;
	s30 =	sadd.s32 $0x750, s12  }
0x115: {  	[hbm4b:s30+s2] =	stream.linear.scatter [tilespmem:s29], [sflag:$0x1], $0x80, $0x38;
	[tilespmem:$0x8980] =	vst v63  }
0x116: {  	s15 =	spop (v2sf);
	s13 =	sadd.s32 $0x4580, s13;
	s31 =	sadd.s32 $0x7D0, s12  }
0x117: {  	[hbm4b:s31+s2] =	stream.linear.scatter [tilespmem:s13], [sflag:$0x1], $0x80, $0x38;
	[tilespmem:$0x8980] =	vst v63  }
0x118: {  	s16 =	sshll.u32 s15, $0xB;
	s13 =	sshll.u32 s15, $0x7  }
0x119: {  	s14 =	sand.u32 $0xFFFFC000, s16;
	s13 =	sand.u32 $0x380, s13  }
0x11a: {  	s13 =	sor.u32 s13, s14  }
0x11b: {  	s17 =	sadd.s32 $0x60, s12;
	s18 =	sadd.s32 $0x980, s13  }
0x11c: {  	[hbm4b:s17+s2] =	stream.linear.scatter [tilespmem:s18], [sflag:$0x1], $0x80, $0x38;
	[tilespmem:$0x8980] =	vst v63  }
0x11d: {  	s20 =	sadd.s32 $0xE0, s12;
	s19 =	sadd.s32 $0xD80, s13  }
0x11e: {  	[hbm4b:s20+s2] =	stream.linear.scatter [tilespmem:s19], [sflag:$0x1], $0x80, $0x38;
	[tilespmem:$0x8980] =	vst v63  }
0x11f: {  	s22 =	sadd.s32 $0x160, s12;
	s21 =	sadd.s32 $0x1180, s13  }
0x120: {  	[hbm4b:s22+s2] =	stream.linear.scatter [tilespmem:s21], [sflag:$0x1], $0x80, $0x38;
	[tilespmem:$0x8980] =	vst v63  }
0x121: {  	s24 =	sadd.s32 $0x1E0, s12;
	s23 =	sadd.s32 $0x1580, s13  }
0x122: {  	[hbm4b:s24+s2] =	stream.linear.scatter [tilespmem:s23], [sflag:$0x1], $0x80, $0x38;
	[tilespmem:$0x8980] =	vst v63  }
0x123: {  	s26 =	sadd.s32 $0x260, s12;
	s25 =	sadd.s32 $0x1980, s13  }
0x124: {  	[hbm4b:s26+s2] =	stream.linear.scatter [tilespmem:s25], [sflag:$0x1], $0x80, $0x38;
	[tilespmem:$0x8980] =	vst v63  }
0x125: {  	s29 =	sadd.s32 $0x2E0, s12;
	s28 =	sadd.s32 $0x1D80, s13  }
0x126: {  	[hbm4b:s29+s2] =	stream.linear.scatter [tilespmem:s28], [sflag:$0x1], $0x80, $0x38;
	[tilespmem:$0x8980] =	vst v63  }
0x127: {  	s31 =	sadd.s32 $0x360, s12;
	s30 =	sadd.s32 $0x2180, s13  }
0x128: {  	[hbm4b:s31+s2] =	stream.linear.scatter [tilespmem:s30], [sflag:$0x1], $0x80, $0x38;
	[tilespmem:$0x8980] =	vst v63  }
0x129: {  	s16 =	sadd.s32 $0x3E0, s12;
	s15 =	sadd.s32 $0x2580, s13  }
0x12a: {  	(v2sf) =	vpush v10, $0x7;
	[hbm4b:s16+s2] =	stream.linear.scatter [tilespmem:s15], [sflag:$0x1], $0x80, $0x38;
	[tilespmem:$0x8980] =	vst v63  }
0x12b: {  	s17 =	sadd.s32 $0x2980, s13;
	s18 =	sadd.s32 $0x460, s12  }
0x12c: {  	[hbm4b:s18+s2] =	stream.linear.scatter [tilespmem:s17], [sflag:$0x1], $0x80, $0x38;
	[tilespmem:$0x8980] =	vst v63  }
0x12d: {  	s19 =	sadd.s32 $0x2D80, s13;
	s20 =	sadd.s32 $0x4E0, s12  }
0x12e: {  	[hbm4b:s20+s2] =	stream.linear.scatter [tilespmem:s19], [sflag:$0x1], $0x80, $0x38;
	[tilespmem:$0x8980] =	vst v63  }
0x12f: {  	s21 =	sadd.s32 $0x3180, s13;
	s22 =	sadd.s32 $0x560, s12  }
0x130: {  	[hbm4b:s22+s2] =	stream.linear.scatter [tilespmem:s21], [sflag:$0x1], $0x80, $0x38;
	[tilespmem:$0x8980] =	vst v63  }
0x131: {  	s23 =	sadd.s32 $0x3580, s13;
	s24 =	sadd.s32 $0x5E0, s12  }
0x132: {  	[hbm4b:s24+s2] =	stream.linear.scatter [tilespmem:s23], [sflag:$0x1], $0x80, $0x38;
	[tilespmem:$0x8980] =	vst v63  }
0x133: {  	s25 =	sadd.s32 $0x3980, s13;
	s26 =	sadd.s32 $0x660, s12  }
0x134: {  	[hbm4b:s26+s2] =	stream.linear.scatter [tilespmem:s25], [sflag:$0x1], $0x80, $0x38;
	[tilespmem:$0x8980] =	vst v63  }
0x135: {  	s28 =	sadd.s32 $0x3D80, s13;
	s29 =	sadd.s32 $0x6E0, s12  }
0x136: {  	[hbm4b:s29+s2] =	stream.linear.scatter [tilespmem:s28], [sflag:$0x1], $0x80, $0x38;
	[tilespmem:$0x8980] =	vst v63  }
0x137: {  	s30 =	sadd.s32 $0x4180, s13;
	s31 =	sadd.s32 $0x760, s12  }
0x138: {  	[hbm4b:s31+s2] =	stream.linear.scatter [tilespmem:s30], [sflag:$0x1], $0x80, $0x38;
	[tilespmem:$0x8980] =	vst v63  }
0x139: {  	s13 =	sadd.s32 $0x4580, s13;
	s16 =	sadd.s32 $0x7E0, s12;
	s17 =	spop (v2sf)  }
0x13a: {  	[hbm4b:s16+s2] =	stream.linear.scatter [tilespmem:s13], [sflag:$0x1], $0x80, $0x38;
	[tilespmem:$0x8980] =	vst v63  }
0x13b: {  	s18 =	sshll.u32 s17, $0xB;
	s13 =	sshll.u32 s17, $0x7  }
0x13c: {  	s14 =	sand.u32 $0xFFFFC000, s18;
	s13 =	sand.u32 $0x380, s13  }
0x13d: {  	s13 =	sor.u32 s13, s14  }
0x13e: {  	s19 =	sadd.s32 $0x70, s12;
	s20 =	sadd.s32 $0x980, s13  }
0x13f: {  	[hbm4b:s19+s2] =	stream.linear.scatter [tilespmem:s20], [sflag:$0x1], $0x80, $0x38;
	[tilespmem:$0x8980] =	vst v63  }
0x140: {  	s22 =	sadd.s32 $0xF0, s12;
	s21 =	sadd.s32 $0xD80, s13  }
0x141: {  	[hbm4b:s22+s2] =	stream.linear.scatter [tilespmem:s21], [sflag:$0x1], $0x80, $0x38;
	[tilespmem:$0x8980] =	vst v63  }
0x142: {  	s24 =	sadd.s32 $0x170, s12;
	s23 =	sadd.s32 $0x1180, s13  }
0x143: {  	[hbm4b:s24+s2] =	stream.linear.scatter [tilespmem:s23], [sflag:$0x1], $0x80, $0x38;
	[tilespmem:$0x8980] =	vst v63  }
0x144: {  	s26 =	sadd.s32 $0x1F0, s12;
	s25 =	sadd.s32 $0x1580, s13  }
0x145: {  	[hbm4b:s26+s2] =	stream.linear.scatter [tilespmem:s25], [sflag:$0x1], $0x80, $0x38;
	[tilespmem:$0x8980] =	vst v63  }
0x146: {  	s29 =	sadd.s32 $0x270, s12;
	s28 =	sadd.s32 $0x1980, s13  }
0x147: {  	[hbm4b:s29+s2] =	stream.linear.scatter [tilespmem:s28], [sflag:$0x1], $0x80, $0x38;
	[tilespmem:$0x8980] =	vst v63  }
0x148: {  	s31 =	sadd.s32 $0x2F0, s12;
	s30 =	sadd.s32 $0x1D80, s13  }
0x149: {  	[hbm4b:s31+s2] =	stream.linear.scatter [tilespmem:s30], [sflag:$0x1], $0x80, $0x38;
	[tilespmem:$0x8980] =	vst v63  }
0x14a: {  	s16 =	sadd.s32 $0x370, s12;
	s15 =	sadd.s32 $0x2180, s13  }
0x14b: {  	[hbm4b:s16+s2] =	stream.linear.scatter [tilespmem:s15], [sflag:$0x1], $0x80, $0x38;
	[tilespmem:$0x8980] =	vst v63  }
0x14c: {  	s18 =	sadd.s32 $0x3F0, s12;
	s17 =	sadd.s32 $0x2580, s13  }
0x14d: {  	(v2sf) =	vpush v10, $0x8;
	[hbm4b:s18+s2] =	stream.linear.scatter [tilespmem:s17], [sflag:$0x1], $0x80, $0x38;
	[tilespmem:$0x8980] =	vst v63  }
0x14e: {  	s19 =	sadd.s32 $0x2980, s13;
	s20 =	sadd.s32 $0x470, s12  }
0x14f: {  	[hbm4b:s20+s2] =	stream.linear.scatter [tilespmem:s19], [sflag:$0x1], $0x80, $0x38;
	[tilespmem:$0x8980] =	vst v63  }
0x150: {  	s21 =	sadd.s32 $0x2D80, s13;
	s22 =	sadd.s32 $0x4F0, s12  }
0x151: {  	[hbm4b:s22+s2] =	stream.linear.scatter [tilespmem:s21], [sflag:$0x1], $0x80, $0x38;
	[tilespmem:$0x8980] =	vst v63  }
0x152: {  	s23 =	sadd.s32 $0x3180, s13;
	s24 =	sadd.s32 $0x570, s12  }
0x153: {  	[hbm4b:s24+s2] =	stream.linear.scatter [tilespmem:s23], [sflag:$0x1], $0x80, $0x38;
	[tilespmem:$0x8980] =	vst v63  }
0x154: {  	s25 =	sadd.s32 $0x3580, s13;
	s26 =	sadd.s32 $0x5F0, s12  }
0x155: {  	[hbm4b:s26+s2] =	stream.linear.scatter [tilespmem:s25], [sflag:$0x1], $0x80, $0x38;
	[tilespmem:$0x8980] =	vst v63  }
0x156: {  	s28 =	sadd.s32 $0x3980, s13;
	s29 =	sadd.s32 $0x670, s12  }
0x157: {  	[hbm4b:s29+s2] =	stream.linear.scatter [tilespmem:s28], [sflag:$0x1], $0x80, $0x38;
	[tilespmem:$0x8980] =	vst v63  }
0x158: {  	s30 =	sadd.s32 $0x3D80, s13;
	s31 =	sadd.s32 $0x6F0, s12  }
0x159: {  	[hbm4b:s31+s2] =	stream.linear.scatter [tilespmem:s30], [sflag:$0x1], $0x80, $0x38;
	[tilespmem:$0x8980] =	vst v63  }
0x15a: {  	s15 =	sadd.s32 $0x4180, s13;
	s16 =	sadd.s32 $0x770, s12  }
0x15b: {  	[hbm4b:s16+s2] =	stream.linear.scatter [tilespmem:s15], [sflag:$0x1], $0x80, $0x38;
	[tilespmem:$0x8980] =	vst v63  }
0x15c: {  	s13 =	sadd.s32 $0x4580, s13;
	s12 =	sadd.s32 $0x7F0, s12;
	s17 =	spop (v2sf)  }
0x15d: {  	[hbm4b:s12+s2] =	stream.linear.scatter [tilespmem:s13], [sflag:$0x1], $0x80, $0x38;
	[tilespmem:$0x8980] =	vst v63  }
0x15e: {  	s19 =	sshll.u32 s17, $0xB;
	s12 =	sshll.u32 s17, $0x7  }
0x15f: {  	s14 =	sand.u32 $0xFFFFC000, s19;
	s12 =	sand.u32 $0x380, s12  }
0x160: {  	s18 =	rddreg [dreg:$0x5];
	s14 =	sor.u32 s12, s14  }
0x161: {  	s12 =	sadd.s32 s11, s18;
	s20 =	sadd.s32 $0x980, s14  }
0x162: {  	[hbm4b:s12+s2] =	stream.linear.scatter [tilespmem:s20], [sflag:$0x1], $0x80, $0x38;
	[tilespmem:$0x8980] =	vst v63  }
0x163: {  	s21 =	sadd.s32 $0xD80, s14;
	s22 =	sadd.s32 $0x80, s12  }
0x164: {  	[hbm4b:s22+s2] =	stream.linear.scatter [tilespmem:s21], [sflag:$0x1], $0x80, $0x38;
	[tilespmem:$0x8980] =	vst v63  }
0x165: {  	s23 =	sadd.s32 $0x1180, s14;
	s24 =	sadd.s32 $0x100, s12  }
0x166: {  	[hbm4b:s24+s2] =	stream.linear.scatter [tilespmem:s23], [sflag:$0x1], $0x80, $0x38;
	[tilespmem:$0x8980] =	vst v63  }
0x167: {  	s25 =	sadd.s32 $0x1580, s14;
	s26 =	sadd.s32 $0x180, s12  }
0x168: {  	[hbm4b:s26+s2] =	stream.linear.scatter [tilespmem:s25], [sflag:$0x1], $0x80, $0x38;
	[tilespmem:$0x8980] =	vst v63  }
0x169: {  	s28 =	sadd.s32 $0x1980, s14;
	s29 =	sadd.s32 $0x200, s12  }
0x16a: {  	(v2sf) =	vpush v10, $0x9;
	[hbm4b:s29+s2] =	stream.linear.scatter [tilespmem:s28], [sflag:$0x1], $0x80, $0x38;
	[tilespmem:$0x8980] =	vst v63  }
0x16b: {  	s30 =	sadd.s32 $0x1D80, s14;
	s31 =	sadd.s32 $0x280, s12  }
0x16c: {  	[hbm4b:s31+s2] =	stream.linear.scatter [tilespmem:s30], [sflag:$0x1], $0x80, $0x38;
	[tilespmem:$0x8980] =	vst v63  }
0x16d: {  	s15 =	sadd.s32 $0x2180, s14;
	s16 =	sadd.s32 $0x300, s12  }
0x16e: {  	[hbm4b:s16+s2] =	stream.linear.scatter [tilespmem:s15], [sflag:$0x1], $0x80, $0x38;
	[tilespmem:$0x8980] =	vst v63  }
0x16f: {  	s17 =	sadd.s32 $0x2580, s14;
	s18 =	sadd.s32 $0x380, s12  }
0x170: {  	[hbm4b:s18+s2] =	stream.linear.scatter [tilespmem:s17], [sflag:$0x1], $0x80, $0x38;
	[tilespmem:$0x8980] =	vst v63  }
0x171: {  	s19 =	sadd.s32 $0x2980, s14;
	s20 =	sadd.s32 $0x400, s12  }
0x172: {  	[hbm4b:s20+s2] =	stream.linear.scatter [tilespmem:s19], [sflag:$0x1], $0x80, $0x38;
	[tilespmem:$0x8980] =	vst v63  }
0x173: {  	s21 =	sadd.s32 $0x2D80, s14;
	s22 =	sadd.s32 $0x480, s12;
	s23 =	sadd.s32 $0x3180, s14  }
0x174: {  	[hbm4b:s22+s2] =	stream.linear.scatter [tilespmem:s21], [sflag:$0x1], $0x80, $0x38;
	[tilespmem:$0x8980] =	vst v63  }
0x175: {  	s24 =	sadd.s32 $0x500, s12;
	s25 =	sadd.s32 $0x3580, s14;
	s26 =	sadd.s32 $0x580, s12  }
0x176: {  	[hbm4b:s24+s2] =	stream.linear.scatter [tilespmem:s23], [sflag:$0x1], $0x80, $0x38;
	[tilespmem:$0x8980] =	vst v63  }
0x177: {  	s28 =	sadd.s32 $0x3980, s14;
	s29 =	sadd.s32 $0x600, s12;
	s30 =	sadd.s32 $0x3D80, s14  }
0x178: {  	[hbm4b:s26+s2] =	stream.linear.scatter [tilespmem:s25], [sflag:$0x1], $0x80, $0x38;
	[tilespmem:$0x8980] =	vst v63  }
0x179: {  	s31 =	sadd.s32 $0x680, s12;
	s15 =	sadd.s32 $0x4180, s14;
	s19 =	spop (v2sf)  }
0x17a: {  	[hbm4b:s29+s2] =	stream.linear.scatter [tilespmem:s28], [sflag:$0x1], $0x80, $0x38;
	[tilespmem:$0x8980] =	vst v63  }
0x17b: {  	s16 =	sadd.s32 $0x700, s12;
	s20 =	sshll.u32 s19, $0xB;
	s13 =	sshll.u32 s19, $0x7  }
0x17c: {  	[hbm4b:s31+s2] =	stream.linear.scatter [tilespmem:s30], [sflag:$0x1], $0x80, $0x38;
	[tilespmem:$0x8980] =	vst v63  }
0x17d: {  	s17 =	sadd.s32 $0x4580, s14;
	s14 =	sand.u32 $0xFFFFC000, s20;
	s13 =	sand.u32 $0x380, s13  }
0x17e: {  	[hbm4b:s16+s2] =	stream.linear.scatter [tilespmem:s15], [sflag:$0x1], $0x80, $0x38;
	[tilespmem:$0x8980] =	vst v63  }
0x17f: {  	s18 =	sadd.s32 $0x780, s12;
	s13 =	sor.u32 s13, s14  }
0x180: {  	[hbm4b:s18+s2] =	stream.linear.scatter [tilespmem:s17], [sflag:$0x1], $0x80, $0x38;
	[tilespmem:$0x8980] =	vst v63  }
0x181: {  	s21 =	sadd.s32 $0x10, s12;
	s22 =	sadd.s32 $0x980, s13  }
0x182: {  	[hbm4b:s21+s2] =	stream.linear.scatter [tilespmem:s22], [sflag:$0x1], $0x80, $0x38;
	[tilespmem:$0x8980] =	vst v63  }
0x183: {  	s23 =	sadd.s32 $0xD80, s13;
	s24 =	sadd.s32 $0x90, s12  }
0x184: {  	[hbm4b:s24+s2] =	stream.linear.scatter [tilespmem:s23], [sflag:$0x1], $0x80, $0x38;
	[tilespmem:$0x8980] =	vst v63  }
0x185: {  	s25 =	sadd.s32 $0x1180, s13;
	s26 =	sadd.s32 $0x110, s12  }
0x186: {  	[hbm4b:s26+s2] =	stream.linear.scatter [tilespmem:s25], [sflag:$0x1], $0x80, $0x38;
	[tilespmem:$0x8980] =	vst v63  }
0x187: {  	s28 =	sadd.s32 $0x1580, s13;
	s29 =	sadd.s32 $0x190, s12  }
0x188: {  	[hbm4b:s29+s2] =	stream.linear.scatter [tilespmem:s28], [sflag:$0x1], $0x80, $0x38;
	[tilespmem:$0x8980] =	vst v63  }
0x189: {  	s30 =	sadd.s32 $0x1980, s13;
	s31 =	sadd.s32 $0x210, s12  }
0x18a: {  	[hbm4b:s31+s2] =	stream.linear.scatter [tilespmem:s30], [sflag:$0x1], $0x80, $0x38;
	[tilespmem:$0x8980] =	vst v63  }
0x18b: {  	s15 =	sadd.s32 $0x1D80, s13;
	s16 =	sadd.s32 $0x290, s12  }
0x18c: {  	[hbm4b:s16+s2] =	stream.linear.scatter [tilespmem:s15], [sflag:$0x1], $0x80, $0x38;
	[tilespmem:$0x8980] =	vst v63  }
0x18d: {  	s17 =	sadd.s32 $0x2180, s13;
	s18 =	sadd.s32 $0x310, s12  }
0x18e: {  	[hbm4b:s18+s2] =	stream.linear.scatter [tilespmem:s17], [sflag:$0x1], $0x80, $0x38;
	[tilespmem:$0x8980] =	vst v63  }
0x18f: {  	s20 =	sadd.s32 $0x390, s12;
	s19 =	sadd.s32 $0x2580, s13  }
0x190: {  	(v2sf) =	vpush v10, $0xA;
	[hbm4b:s20+s2] =	stream.linear.scatter [tilespmem:s19], [sflag:$0x1], $0x80, $0x38;
	[tilespmem:$0x8980] =	vst v63  }
0x191: {  	s21 =	sadd.s32 $0x2980, s13;
	s22 =	sadd.s32 $0x410, s12  }
0x192: {  	[hbm4b:s22+s2] =	stream.linear.scatter [tilespmem:s21], [sflag:$0x1], $0x80, $0x38;
	[tilespmem:$0x8980] =	vst v63  }
0x193: {  	s23 =	sadd.s32 $0x2D80, s13;
	s24 =	sadd.s32 $0x490, s12  }
0x194: {  	[hbm4b:s24+s2] =	stream.linear.scatter [tilespmem:s23], [sflag:$0x1], $0x80, $0x38;
	[tilespmem:$0x8980] =	vst v63  }
0x195: {  	s25 =	sadd.s32 $0x3180, s13;
	s26 =	sadd.s32 $0x510, s12  }
0x196: {  	[hbm4b:s26+s2] =	stream.linear.scatter [tilespmem:s25], [sflag:$0x1], $0x80, $0x38;
	[tilespmem:$0x8980] =	vst v63  }
0x197: {  	s28 =	sadd.s32 $0x3580, s13;
	s29 =	sadd.s32 $0x590, s12  }
0x198: {  	[hbm4b:s29+s2] =	stream.linear.scatter [tilespmem:s28], [sflag:$0x1], $0x80, $0x38;
	[tilespmem:$0x8980] =	vst v63  }
0x199: {  	s30 =	sadd.s32 $0x3980, s13;
	s31 =	sadd.s32 $0x610, s12  }
0x19a: {  	[hbm4b:s31+s2] =	stream.linear.scatter [tilespmem:s30], [sflag:$0x1], $0x80, $0x38;
	[tilespmem:$0x8980] =	vst v63  }
0x19b: {  	s16 =	sadd.s32 $0x3D80, s13;
	s17 =	sadd.s32 $0x690, s12  }
0x19c: {  	[hbm4b:s17+s2] =	stream.linear.scatter [tilespmem:s16], [sflag:$0x1], $0x80, $0x38;
	[tilespmem:$0x8980] =	vst v63  }
0x19d: {  	s18 =	sadd.s32 $0x4180, s13;
	s19 =	sadd.s32 $0x710, s12  }
0x19e: {  	[hbm4b:s19+s2] =	stream.linear.scatter [tilespmem:s18], [sflag:$0x1], $0x80, $0x38;
	[tilespmem:$0x8980] =	vst v63  }
0x19f: {  	s13 =	sadd.s32 $0x4580, s13;
	s20 =	sadd.s32 $0x790, s12;
	s21 =	spop (v2sf)  }
0x1a0: {  	[hbm4b:s20+s2] =	stream.linear.scatter [tilespmem:s13], [sflag:$0x1], $0x80, $0x38;
	[tilespmem:$0x8980] =	vst v63  }
0x1a1: {  	s22 =	sshll.u32 s21, $0xB;
	s13 =	sshll.u32 s21, $0x7  }
0x1a2: {  	s14 =	sand.u32 $0xFFFFC000, s22;
	s13 =	sand.u32 $0x380, s13  }
0x1a3: {  	s13 =	sor.u32 s13, s14  }
0x1a4: {  	s23 =	sadd.s32 $0x20, s12;
	s24 =	sadd.s32 $0x980, s13  }
0x1a5: {  	[hbm4b:s23+s2] =	stream.linear.scatter [tilespmem:s24], [sflag:$0x1], $0x80, $0x38;
	[tilespmem:$0x8980] =	vst v63  }
0x1a6: {  	s26 =	sadd.s32 $0xA0, s12;
	s25 =	sadd.s32 $0xD80, s13  }
0x1a7: {  	[hbm4b:s26+s2] =	stream.linear.scatter [tilespmem:s25], [sflag:$0x1], $0x80, $0x38;
	[tilespmem:$0x8980] =	vst v63  }
0x1a8: {  	s29 =	sadd.s32 $0x120, s12;
	s28 =	sadd.s32 $0x1180, s13  }
0x1a9: {  	[hbm4b:s29+s2] =	stream.linear.scatter [tilespmem:s28], [sflag:$0x1], $0x80, $0x38;
	[tilespmem:$0x8980] =	vst v63  }
0x1aa: {  	s31 =	sadd.s32 $0x1A0, s12;
	s30 =	sadd.s32 $0x1580, s13  }
0x1ab: {  	[hbm4b:s31+s2] =	stream.linear.scatter [tilespmem:s30], [sflag:$0x1], $0x80, $0x38;
	[tilespmem:$0x8980] =	vst v63  }
0x1ac: {  	s16 =	sadd.s32 $0x220, s12;
	s15 =	sadd.s32 $0x1980, s13  }
0x1ad: {  	[hbm4b:s16+s2] =	stream.linear.scatter [tilespmem:s15], [sflag:$0x1], $0x80, $0x38;
	[tilespmem:$0x8980] =	vst v63  }
0x1ae: {  	s18 =	sadd.s32 $0x2A0, s12;
	s17 =	sadd.s32 $0x1D80, s13  }
0x1af: {  	[hbm4b:s18+s2] =	stream.linear.scatter [tilespmem:s17], [sflag:$0x1], $0x80, $0x38;
	[tilespmem:$0x8980] =	vst v63  }
0x1b0: {  	s20 =	sadd.s32 $0x320, s12;
	s19 =	sadd.s32 $0x2180, s13  }
0x1b1: {  	[hbm4b:s20+s2] =	stream.linear.scatter [tilespmem:s19], [sflag:$0x1], $0x80, $0x38;
	[tilespmem:$0x8980] =	vst v63  }
0x1b2: {  	s22 =	sadd.s32 $0x3A0, s12;
	s21 =	sadd.s32 $0x2580, s13  }
0x1b3: {  	(v2sf) =	vpush v10, $0xB;
	[hbm4b:s22+s2] =	stream.linear.scatter [tilespmem:s21], [sflag:$0x1], $0x80, $0x38;
	[tilespmem:$0x8980] =	vst v63  }
0x1b4: {  	s23 =	sadd.s32 $0x2980, s13;
	s24 =	sadd.s32 $0x420, s12  }
0x1b5: {  	[hbm4b:s24+s2] =	stream.linear.scatter [tilespmem:s23], [sflag:$0x1], $0x80, $0x38;
	[tilespmem:$0x8980] =	vst v63  }
0x1b6: {  	s25 =	sadd.s32 $0x2D80, s13;
	s26 =	sadd.s32 $0x4A0, s12  }
0x1b7: {  	[hbm4b:s26+s2] =	stream.linear.scatter [tilespmem:s25], [sflag:$0x1], $0x80, $0x38;
	[tilespmem:$0x8980] =	vst v63  }
0x1b8: {  	s28 =	sadd.s32 $0x3180, s13;
	s29 =	sadd.s32 $0x520, s12  }
0x1b9: {  	[hbm4b:s29+s2] =	stream.linear.scatter [tilespmem:s28], [sflag:$0x1], $0x80, $0x38;
	[tilespmem:$0x8980] =	vst v63  }
0x1ba: {  	s30 =	sadd.s32 $0x3580, s13;
	s31 =	sadd.s32 $0x5A0, s12  }
0x1bb: {  	[hbm4b:s31+s2] =	stream.linear.scatter [tilespmem:s30], [sflag:$0x1], $0x80, $0x38;
	[tilespmem:$0x8980] =	vst v63  }
0x1bc: {  	s16 =	sadd.s32 $0x3980, s13;
	s17 =	sadd.s32 $0x620, s12  }
0x1bd: {  	[hbm4b:s17+s2] =	stream.linear.scatter [tilespmem:s16], [sflag:$0x1], $0x80, $0x38;
	[tilespmem:$0x8980] =	vst v63  }
0x1be: {  	s18 =	sadd.s32 $0x3D80, s13;
	s19 =	sadd.s32 $0x6A0, s12  }
0x1bf: {  	[hbm4b:s19+s2] =	stream.linear.scatter [tilespmem:s18], [sflag:$0x1], $0x80, $0x38;
	[tilespmem:$0x8980] =	vst v63  }
0x1c0: {  	s20 =	sadd.s32 $0x4180, s13;
	s21 =	sadd.s32 $0x720, s12  }
0x1c1: {  	[hbm4b:s21+s2] =	stream.linear.scatter [tilespmem:s20], [sflag:$0x1], $0x80, $0x38;
	[tilespmem:$0x8980] =	vst v63  }
0x1c2: {  	s13 =	sadd.s32 $0x4580, s13;
	s22 =	sadd.s32 $0x7A0, s12;
	s23 =	spop (v2sf)  }
0x1c3: {  	[hbm4b:s22+s2] =	stream.linear.scatter [tilespmem:s13], [sflag:$0x1], $0x80, $0x38;
	[tilespmem:$0x8980] =	vst v63  }
0x1c4: {  	s24 =	sshll.u32 s23, $0xB;
	s13 =	sshll.u32 s23, $0x7  }
0x1c5: {  	s14 =	sand.u32 $0xFFFFC000, s24;
	s13 =	sand.u32 $0x380, s13  }
0x1c6: {  	s13 =	sor.u32 s13, s14  }
0x1c7: {  	s25 =	sadd.s32 $0x30, s12;
	s26 =	sadd.s32 $0x980, s13  }
0x1c8: {  	[hbm4b:s25+s2] =	stream.linear.scatter [tilespmem:s26], [sflag:$0x1], $0x80, $0x38;
	[tilespmem:$0x8980] =	vst v63  }
0x1c9: {  	s29 =	sadd.s32 $0xB0, s12;
	s28 =	sadd.s32 $0xD80, s13  }
0x1ca: {  	[hbm4b:s29+s2] =	stream.linear.scatter [tilespmem:s28], [sflag:$0x1], $0x80, $0x38;
	[tilespmem:$0x8980] =	vst v63  }
0x1cb: {  	s31 =	sadd.s32 $0x130, s12;
	s30 =	sadd.s32 $0x1180, s13  }
0x1cc: {  	[hbm4b:s31+s2] =	stream.linear.scatter [tilespmem:s30], [sflag:$0x1], $0x80, $0x38;
	[tilespmem:$0x8980] =	vst v63  }
0x1cd: {  	s16 =	sadd.s32 $0x1B0, s12;
	s15 =	sadd.s32 $0x1580, s13  }
0x1ce: {  	[hbm4b:s16+s2] =	stream.linear.scatter [tilespmem:s15], [sflag:$0x1], $0x80, $0x38;
	[tilespmem:$0x8980] =	vst v63  }
0x1cf: {  	s18 =	sadd.s32 $0x230, s12;
	s17 =	sadd.s32 $0x1980, s13  }
0x1d0: {  	[hbm4b:s18+s2] =	stream.linear.scatter [tilespmem:s17], [sflag:$0x1], $0x80, $0x38;
	[tilespmem:$0x8980] =	vst v63  }
0x1d1: {  	s20 =	sadd.s32 $0x2B0, s12;
	s19 =	sadd.s32 $0x1D80, s13  }
0x1d2: {  	[hbm4b:s20+s2] =	stream.linear.scatter [tilespmem:s19], [sflag:$0x1], $0x80, $0x38;
	[tilespmem:$0x8980] =	vst v63  }
0x1d3: {  	s22 =	sadd.s32 $0x330, s12;
	s21 =	sadd.s32 $0x2180, s13  }
0x1d4: {  	[hbm4b:s22+s2] =	stream.linear.scatter [tilespmem:s21], [sflag:$0x1], $0x80, $0x38;
	[tilespmem:$0x8980] =	vst v63  }
0x1d5: {  	s24 =	sadd.s32 $0x3B0, s12;
	s23 =	sadd.s32 $0x2580, s13  }
0x1d6: {  	(v2sf) =	vpush v10, $0xC;
	[hbm4b:s24+s2] =	stream.linear.scatter [tilespmem:s23], [sflag:$0x1], $0x80, $0x38;
	[tilespmem:$0x8980] =	vst v63  }
0x1d7: {  	s25 =	sadd.s32 $0x2980, s13;
	s26 =	sadd.s32 $0x430, s12  }
0x1d8: {  	[hbm4b:s26+s2] =	stream.linear.scatter [tilespmem:s25], [sflag:$0x1], $0x80, $0x38;
	[tilespmem:$0x8980] =	vst v63  }
0x1d9: {  	s28 =	sadd.s32 $0x2D80, s13;
	s29 =	sadd.s32 $0x4B0, s12  }
0x1da: {  	[hbm4b:s29+s2] =	stream.linear.scatter [tilespmem:s28], [sflag:$0x1], $0x80, $0x38;
	[tilespmem:$0x8980] =	vst v63  }
0x1db: {  	s30 =	sadd.s32 $0x3180, s13;
	s31 =	sadd.s32 $0x530, s12  }
0x1dc: {  	[hbm4b:s31+s2] =	stream.linear.scatter [tilespmem:s30], [sflag:$0x1], $0x80, $0x38;
	[tilespmem:$0x8980] =	vst v63  }
0x1dd: {  	s16 =	sadd.s32 $0x3580, s13;
	s17 =	sadd.s32 $0x5B0, s12  }
0x1de: {  	[hbm4b:s17+s2] =	stream.linear.scatter [tilespmem:s16], [sflag:$0x1], $0x80, $0x38;
	[tilespmem:$0x8980] =	vst v63  }
0x1df: {  	s18 =	sadd.s32 $0x3980, s13;
	s19 =	sadd.s32 $0x630, s12  }
0x1e0: {  	[hbm4b:s19+s2] =	stream.linear.scatter [tilespmem:s18], [sflag:$0x1], $0x80, $0x38;
	[tilespmem:$0x8980] =	vst v63  }
0x1e1: {  	s20 =	sadd.s32 $0x3D80, s13;
	s21 =	sadd.s32 $0x6B0, s12  }
0x1e2: {  	[hbm4b:s21+s2] =	stream.linear.scatter [tilespmem:s20], [sflag:$0x1], $0x80, $0x38;
	[tilespmem:$0x8980] =	vst v63  }
0x1e3: {  	s22 =	sadd.s32 $0x4180, s13;
	s23 =	sadd.s32 $0x730, s12  }
0x1e4: {  	[hbm4b:s23+s2] =	stream.linear.scatter [tilespmem:s22], [sflag:$0x1], $0x80, $0x38;
	[tilespmem:$0x8980] =	vst v63  }
0x1e5: {  	s13 =	sadd.s32 $0x4580, s13;
	s24 =	sadd.s32 $0x7B0, s12;
	s25 =	spop (v2sf)  }
0x1e6: {  	[hbm4b:s24+s2] =	stream.linear.scatter [tilespmem:s13], [sflag:$0x1], $0x80, $0x38;
	[tilespmem:$0x8980] =	vst v63  }
0x1e7: {  	s26 =	sshll.u32 s25, $0xB;
	s13 =	sshll.u32 s25, $0x7  }
0x1e8: {  	s14 =	sand.u32 $0xFFFFC000, s26;
	s13 =	sand.u32 $0x380, s13  }
0x1e9: {  	s13 =	sor.u32 s13, s14  }
0x1ea: {  	s28 =	sadd.s32 $0x40, s12;
	s29 =	sadd.s32 $0x980, s13  }
0x1eb: {  	[hbm4b:s28+s2] =	stream.linear.scatter [tilespmem:s29], [sflag:$0x1], $0x80, $0x38;
	[tilespmem:$0x8980] =	vst v63  }
0x1ec: {  	s31 =	sadd.s32 $0xC0, s12;
	s30 =	sadd.s32 $0xD80, s13  }
0x1ed: {  	[hbm4b:s31+s2] =	stream.linear.scatter [tilespmem:s30], [sflag:$0x1], $0x80, $0x38;
	[tilespmem:$0x8980] =	vst v63  }
0x1ee: {  	s16 =	sadd.s32 $0x140, s12;
	s15 =	sadd.s32 $0x1180, s13  }
0x1ef: {  	[hbm4b:s16+s2] =	stream.linear.scatter [tilespmem:s15], [sflag:$0x1], $0x80, $0x38;
	[tilespmem:$0x8980] =	vst v63  }
0x1f0: {  	s18 =	sadd.s32 $0x1C0, s12;
	s17 =	sadd.s32 $0x1580, s13  }
0x1f1: {  	[hbm4b:s18+s2] =	stream.linear.scatter [tilespmem:s17], [sflag:$0x1], $0x80, $0x38;
	[tilespmem:$0x8980] =	vst v63  }
0x1f2: {  	s20 =	sadd.s32 $0x240, s12;
	s19 =	sadd.s32 $0x1980, s13  }
0x1f3: {  	[hbm4b:s20+s2] =	stream.linear.scatter [tilespmem:s19], [sflag:$0x1], $0x80, $0x38;
	[tilespmem:$0x8980] =	vst v63  }
0x1f4: {  	s22 =	sadd.s32 $0x2C0, s12;
	s21 =	sadd.s32 $0x1D80, s13  }
0x1f5: {  	[hbm4b:s22+s2] =	stream.linear.scatter [tilespmem:s21], [sflag:$0x1], $0x80, $0x38;
	[tilespmem:$0x8980] =	vst v63  }
0x1f6: {  	s24 =	sadd.s32 $0x340, s12;
	s23 =	sadd.s32 $0x2180, s13  }
0x1f7: {  	[hbm4b:s24+s2] =	stream.linear.scatter [tilespmem:s23], [sflag:$0x1], $0x80, $0x38;
	[tilespmem:$0x8980] =	vst v63  }
0x1f8: {  	s26 =	sadd.s32 $0x3C0, s12;
	s25 =	sadd.s32 $0x2580, s13  }
0x1f9: {  	(v2sf) =	vpush v10, $0xD;
	[hbm4b:s26+s2] =	stream.linear.scatter [tilespmem:s25], [sflag:$0x1], $0x80, $0x38;
	[tilespmem:$0x8980] =	vst v63  }
0x1fa: {  	s28 =	sadd.s32 $0x2980, s13;
	s29 =	sadd.s32 $0x440, s12  }
0x1fb: {  	[hbm4b:s29+s2] =	stream.linear.scatter [tilespmem:s28], [sflag:$0x1], $0x80, $0x38;
	[tilespmem:$0x8980] =	vst v63  }
0x1fc: {  	s30 =	sadd.s32 $0x2D80, s13;
	s31 =	sadd.s32 $0x4C0, s12  }
0x1fd: {  	[hbm4b:s31+s2] =	stream.linear.scatter [tilespmem:s30], [sflag:$0x1], $0x80, $0x38;
	[tilespmem:$0x8980] =	vst v63  }
0x1fe: {  	s16 =	sadd.s32 $0x3180, s13;
	s17 =	sadd.s32 $0x540, s12  }
0x1ff: {  	[hbm4b:s17+s2] =	stream.linear.scatter [tilespmem:s16], [sflag:$0x1], $0x80, $0x38;
	[tilespmem:$0x8980] =	vst v63  }
0x200: {  	s18 =	sadd.s32 $0x3580, s13;
	s19 =	sadd.s32 $0x5C0, s12  }
0x201: {  	[hbm4b:s19+s2] =	stream.linear.scatter [tilespmem:s18], [sflag:$0x1], $0x80, $0x38;
	[tilespmem:$0x8980] =	vst v63  }
0x202: {  	s20 =	sadd.s32 $0x3980, s13;
	s21 =	sadd.s32 $0x640, s12  }
0x203: {  	[hbm4b:s21+s2] =	stream.linear.scatter [tilespmem:s20], [sflag:$0x1], $0x80, $0x38;
	[tilespmem:$0x8980] =	vst v63  }
0x204: {  	s22 =	sadd.s32 $0x3D80, s13;
	s23 =	sadd.s32 $0x6C0, s12  }
0x205: {  	[hbm4b:s23+s2] =	stream.linear.scatter [tilespmem:s22], [sflag:$0x1], $0x80, $0x38;
	[tilespmem:$0x8980] =	vst v63  }
0x206: {  	s24 =	sadd.s32 $0x4180, s13;
	s25 =	sadd.s32 $0x740, s12  }
0x207: {  	[hbm4b:s25+s2] =	stream.linear.scatter [tilespmem:s24], [sflag:$0x1], $0x80, $0x38;
	[tilespmem:$0x8980] =	vst v63  }
0x208: {  	s13 =	sadd.s32 $0x4580, s13;
	s26 =	sadd.s32 $0x7C0, s12;
	s28 =	spop (v2sf)  }
0x209: {  	[hbm4b:s26+s2] =	stream.linear.scatter [tilespmem:s13], [sflag:$0x1], $0x80, $0x38;
	[tilespmem:$0x8980] =	vst v63  }
0x20a: {  	s29 =	sshll.u32 s28, $0xB;
	s13 =	sshll.u32 s28, $0x7  }
0x20b: {  	s14 =	sand.u32 $0xFFFFC000, s29;
	s13 =	sand.u32 $0x380, s13  }
0x20c: {  	s13 =	sor.u32 s13, s14  }
0x20d: {  	s30 =	sadd.s32 $0x50, s12;
	s31 =	sadd.s32 $0x980, s13  }
0x20e: {  	[hbm4b:s30+s2] =	stream.linear.scatter [tilespmem:s31], [sflag:$0x1], $0x80, $0x38;
	[tilespmem:$0x8980] =	vst v63  }
0x20f: {  	s16 =	sadd.s32 $0xD0, s12;
	s15 =	sadd.s32 $0xD80, s13  }
0x210: {  	[hbm4b:s16+s2] =	stream.linear.scatter [tilespmem:s15], [sflag:$0x1], $0x80, $0x38;
	[tilespmem:$0x8980] =	vst v63  }
0x211: {  	s18 =	sadd.s32 $0x150, s12;
	s17 =	sadd.s32 $0x1180, s13  }
0x212: {  	[hbm4b:s18+s2] =	stream.linear.scatter [tilespmem:s17], [sflag:$0x1], $0x80, $0x38;
	[tilespmem:$0x8980] =	vst v63  }
0x213: {  	s20 =	sadd.s32 $0x1D0, s12;
	s19 =	sadd.s32 $0x1580, s13  }
0x214: {  	[hbm4b:s20+s2] =	stream.linear.scatter [tilespmem:s19], [sflag:$0x1], $0x80, $0x38;
	[tilespmem:$0x8980] =	vst v63  }
0x215: {  	s22 =	sadd.s32 $0x250, s12;
	s21 =	sadd.s32 $0x1980, s13  }
0x216: {  	[hbm4b:s22+s2] =	stream.linear.scatter [tilespmem:s21], [sflag:$0x1], $0x80, $0x38;
	[tilespmem:$0x8980] =	vst v63  }
0x217: {  	s24 =	sadd.s32 $0x2D0, s12;
	s23 =	sadd.s32 $0x1D80, s13  }
0x218: {  	[hbm4b:s24+s2] =	stream.linear.scatter [tilespmem:s23], [sflag:$0x1], $0x80, $0x38;
	[tilespmem:$0x8980] =	vst v63  }
0x219: {  	s26 =	sadd.s32 $0x350, s12;
	s25 =	sadd.s32 $0x2180, s13  }
0x21a: {  	[hbm4b:s26+s2] =	stream.linear.scatter [tilespmem:s25], [sflag:$0x1], $0x80, $0x38;
	[tilespmem:$0x8980] =	vst v63  }
0x21b: {  	s29 =	sadd.s32 $0x3D0, s12;
	s28 =	sadd.s32 $0x2580, s13  }
0x21c: {  	(v2sf) =	vpush v10, $0xE;
	[hbm4b:s29+s2] =	stream.linear.scatter [tilespmem:s28], [sflag:$0x1], $0x80, $0x38;
	[tilespmem:$0x8980] =	vst v63  }
0x21d: {  	s30 =	sadd.s32 $0x2980, s13;
	s31 =	sadd.s32 $0x450, s12  }
0x21e: {  	[hbm4b:s31+s2] =	stream.linear.scatter [tilespmem:s30], [sflag:$0x1], $0x80, $0x38;
	[tilespmem:$0x8980] =	vst v63  }
0x21f: {  	s16 =	sadd.s32 $0x2D80, s13;
	s17 =	sadd.s32 $0x4D0, s12  }
0x220: {  	[hbm4b:s17+s2] =	stream.linear.scatter [tilespmem:s16], [sflag:$0x1], $0x80, $0x38;
	[tilespmem:$0x8980] =	vst v63  }
0x221: {  	s18 =	sadd.s32 $0x3180, s13;
	s19 =	sadd.s32 $0x550, s12  }
0x222: {  	[hbm4b:s19+s2] =	stream.linear.scatter [tilespmem:s18], [sflag:$0x1], $0x80, $0x38;
	[tilespmem:$0x8980] =	vst v63  }
0x223: {  	s20 =	sadd.s32 $0x3580, s13;
	s21 =	sadd.s32 $0x5D0, s12  }
0x224: {  	[hbm4b:s21+s2] =	stream.linear.scatter [tilespmem:s20], [sflag:$0x1], $0x80, $0x38;
	[tilespmem:$0x8980] =	vst v63  }
0x225: {  	s22 =	sadd.s32 $0x3980, s13;
	s23 =	sadd.s32 $0x650, s12  }
0x226: {  	[hbm4b:s23+s2] =	stream.linear.scatter [tilespmem:s22], [sflag:$0x1], $0x80, $0x38;
	[tilespmem:$0x8980] =	vst v63  }
0x227: {  	s24 =	sadd.s32 $0x3D80, s13;
	s25 =	sadd.s32 $0x6D0, s12  }
0x228: {  	[hbm4b:s25+s2] =	stream.linear.scatter [tilespmem:s24], [sflag:$0x1], $0x80, $0x38;
	[tilespmem:$0x8980] =	vst v63  }
0x229: {  	s26 =	sadd.s32 $0x4180, s13;
	s28 =	sadd.s32 $0x750, s12  }
0x22a: {  	[hbm4b:s28+s2] =	stream.linear.scatter [tilespmem:s26], [sflag:$0x1], $0x80, $0x38;
	[tilespmem:$0x8980] =	vst v63  }
0x22b: {  	s13 =	sadd.s32 $0x4580, s13;
	s29 =	sadd.s32 $0x7D0, s12;
	s30 =	spop (v2sf)  }
0x22c: {  	[hbm4b:s29+s2] =	stream.linear.scatter [tilespmem:s13], [sflag:$0x1], $0x80, $0x38;
	[tilespmem:$0x8980] =	vst v63  }
0x22d: {  	s31 =	sshll.u32 s30, $0xB;
	s13 =	sshll.u32 s30, $0x7  }
0x22e: {  	s14 =	sand.u32 $0xFFFFC000, s31;
	s13 =	sand.u32 $0x380, s13  }
0x22f: {  	s13 =	sor.u32 s13, s14  }
0x230: {  	s15 =	sadd.s32 $0x60, s12;
	s16 =	sadd.s32 $0x980, s13  }
0x231: {  	[hbm4b:s15+s2] =	stream.linear.scatter [tilespmem:s16], [sflag:$0x1], $0x80, $0x38;
	[tilespmem:$0x8980] =	vst v63  }
0x232: {  	s18 =	sadd.s32 $0xE0, s12;
	s17 =	sadd.s32 $0xD80, s13  }
0x233: {  	[hbm4b:s18+s2] =	stream.linear.scatter [tilespmem:s17], [sflag:$0x1], $0x80, $0x38;
	[tilespmem:$0x8980] =	vst v63  }
0x234: {  	s20 =	sadd.s32 $0x160, s12;
	s19 =	sadd.s32 $0x1180, s13  }
0x235: {  	[hbm4b:s20+s2] =	stream.linear.scatter [tilespmem:s19], [sflag:$0x1], $0x80, $0x38;
	[tilespmem:$0x8980] =	vst v63  }
0x236: {  	s22 =	sadd.s32 $0x1E0, s12;
	s21 =	sadd.s32 $0x1580, s13  }
0x237: {  	[hbm4b:s22+s2] =	stream.linear.scatter [tilespmem:s21], [sflag:$0x1], $0x80, $0x38;
	[tilespmem:$0x8980] =	vst v63  }
0x238: {  	s24 =	sadd.s32 $0x260, s12;
	s23 =	sadd.s32 $0x1980, s13  }
0x239: {  	[hbm4b:s24+s2] =	stream.linear.scatter [tilespmem:s23], [sflag:$0x1], $0x80, $0x38;
	[tilespmem:$0x8980] =	vst v63  }
0x23a: {  	s26 =	sadd.s32 $0x2E0, s12;
	s25 =	sadd.s32 $0x1D80, s13  }
0x23b: {  	[hbm4b:s26+s2] =	stream.linear.scatter [tilespmem:s25], [sflag:$0x1], $0x80, $0x38;
	[tilespmem:$0x8980] =	vst v63  }
0x23c: {  	s29 =	sadd.s32 $0x360, s12;
	s28 =	sadd.s32 $0x2180, s13  }
0x23d: {  	[hbm4b:s29+s2] =	stream.linear.scatter [tilespmem:s28], [sflag:$0x1], $0x80, $0x38;
	[tilespmem:$0x8980] =	vst v63  }
0x23e: {  	s31 =	sadd.s32 $0x3E0, s12;
	s30 =	sadd.s32 $0x2580, s13  }
0x23f: {  	(v2sf) =	vpush v10, $0xF;
	[hbm4b:s31+s2] =	stream.linear.scatter [tilespmem:s30], [sflag:$0x1], $0x80, $0x38;
	[tilespmem:$0x8980] =	vst v63  }
0x240: {  	s16 =	sadd.s32 $0x2980, s13;
	s17 =	sadd.s32 $0x460, s12  }
0x241: {  	[hbm4b:s17+s2] =	stream.linear.scatter [tilespmem:s16], [sflag:$0x1], $0x80, $0x38;
	[tilespmem:$0x8980] =	vst v63  }
0x242: {  	s18 =	sadd.s32 $0x2D80, s13;
	s19 =	sadd.s32 $0x4E0, s12  }
0x243: {  	[hbm4b:s19+s2] =	stream.linear.scatter [tilespmem:s18], [sflag:$0x1], $0x80, $0x38;
	[tilespmem:$0x8980] =	vst v63  }
0x244: {  	s20 =	sadd.s32 $0x3180, s13;
	s21 =	sadd.s32 $0x560, s12  }
0x245: {  	[hbm4b:s21+s2] =	stream.linear.scatter [tilespmem:s20], [sflag:$0x1], $0x80, $0x38;
	[tilespmem:$0x8980] =	vst v63  }
0x246: {  	s22 =	sadd.s32 $0x3580, s13;
	s23 =	sadd.s32 $0x5E0, s12  }
0x247: {  	[hbm4b:s23+s2] =	stream.linear.scatter [tilespmem:s22], [sflag:$0x1], $0x80, $0x38;
	[tilespmem:$0x8980] =	vst v63  }
0x248: {  	s24 =	sadd.s32 $0x3980, s13;
	s25 =	sadd.s32 $0x660, s12  }
0x249: {  	[hbm4b:s25+s2] =	stream.linear.scatter [tilespmem:s24], [sflag:$0x1], $0x80, $0x38;
	[tilespmem:$0x8980] =	vst v63  }
0x24a: {  	s26 =	sadd.s32 $0x3D80, s13;
	s28 =	sadd.s32 $0x6E0, s12  }
0x24b: {  	[hbm4b:s28+s2] =	stream.linear.scatter [tilespmem:s26], [sflag:$0x1], $0x80, $0x38;
	[tilespmem:$0x8980] =	vst v63  }
0x24c: {  	s29 =	sadd.s32 $0x4180, s13;
	s30 =	sadd.s32 $0x760, s12  }
0x24d: {  	[hbm4b:s30+s2] =	stream.linear.scatter [tilespmem:s29], [sflag:$0x1], $0x80, $0x38;
	[tilespmem:$0x8980] =	vst v63  }
0x24e: {  	s15 =	spop (v2sf);
	s13 =	sadd.s32 $0x4580, s13;
	s31 =	sadd.s32 $0x7E0, s12  }
0x24f: {  	[hbm4b:s31+s2] =	stream.linear.scatter [tilespmem:s13], [sflag:$0x1], $0x80, $0x38;
	[tilespmem:$0x8980] =	vst v63  }
0x250: {  	s16 =	sshll.u32 s15, $0xB;
	s13 =	sshll.u32 s15, $0x7  }
0x251: {  	s14 =	sand.u32 $0xFFFFC000, s16;
	s13 =	sand.u32 $0x380, s13  }
0x252: {  	s13 =	sor.u32 s13, s14  }
0x253: {  	s17 =	sadd.s32 $0x70, s12;
	s18 =	sadd.s32 $0x980, s13  }
0x254: {  	[hbm4b:s17+s2] =	stream.linear.scatter [tilespmem:s18], [sflag:$0x1], $0x80, $0x38;
	[tilespmem:$0x8980] =	vst v63  }
0x255: {  	s20 =	sadd.s32 $0xF0, s12;
	s19 =	sadd.s32 $0xD80, s13  }
0x256: {  	[hbm4b:s20+s2] =	stream.linear.scatter [tilespmem:s19], [sflag:$0x1], $0x80, $0x38;
	[tilespmem:$0x8980] =	vst v63  }
0x257: {  	s22 =	sadd.s32 $0x170, s12;
	s21 =	sadd.s32 $0x1180, s13  }
0x258: {  	[hbm4b:s22+s2] =	stream.linear.scatter [tilespmem:s21], [sflag:$0x1], $0x80, $0x38;
	[tilespmem:$0x8980] =	vst v63  }
0x259: {  	s24 =	sadd.s32 $0x1F0, s12;
	s23 =	sadd.s32 $0x1580, s13  }
0x25a: {  	[hbm4b:s24+s2] =	stream.linear.scatter [tilespmem:s23], [sflag:$0x1], $0x80, $0x38;
	[tilespmem:$0x8980] =	vst v63  }
0x25b: {  	s26 =	sadd.s32 $0x270, s12;
	s25 =	sadd.s32 $0x1980, s13  }
0x25c: {  	[hbm4b:s26+s2] =	stream.linear.scatter [tilespmem:s25], [sflag:$0x1], $0x80, $0x38;
	[tilespmem:$0x8980] =	vst v63  }
0x25d: {  	s29 =	sadd.s32 $0x2F0, s12;
	s28 =	sadd.s32 $0x1D80, s13  }
0x25e: {  	[hbm4b:s29+s2] =	stream.linear.scatter [tilespmem:s28], [sflag:$0x1], $0x80, $0x38;
	[tilespmem:$0x8980] =	vst v63  }
0x25f: {  	s31 =	sadd.s32 $0x370, s12;
	s30 =	sadd.s32 $0x2180, s13  }
0x260: {  	[hbm4b:s31+s2] =	stream.linear.scatter [tilespmem:s30], [sflag:$0x1], $0x80, $0x38;
	[tilespmem:$0x8980] =	vst v63  }
0x261: {  	s16 =	sadd.s32 $0x3F0, s12;
	s15 =	sadd.s32 $0x2580, s13  }
0x262: {  	[hbm4b:s16+s2] =	stream.linear.scatter [tilespmem:s15], [sflag:$0x1], $0x80, $0x38;
	[tilespmem:$0x8980] =	vst v63  }
0x263: {  	s17 =	sadd.s32 $0x2980, s13;
	s18 =	sadd.s32 $0x470, s12  }
0x264: {  	[hbm4b:s18+s2] =	stream.linear.scatter [tilespmem:s17], [sflag:$0x1], $0x80, $0x38;
	[tilespmem:$0x8980] =	vst v63  }
0x265: {  	s19 =	sadd.s32 $0x2D80, s13;
	s20 =	sadd.s32 $0x4F0, s12  }
0x266: {  	[hbm4b:s20+s2] =	stream.linear.scatter [tilespmem:s19], [sflag:$0x1], $0x80, $0x38;
	[tilespmem:$0x8980] =	vst v63  }
0x267: {  	s21 =	sadd.s32 $0x3180, s13;
	s22 =	sadd.s32 $0x570, s12  }
0x268: {  	[hbm4b:s22+s2] =	stream.linear.scatter [tilespmem:s21], [sflag:$0x1], $0x80, $0x38;
	[tilespmem:$0x8980] =	vst v63  }
0x269: {  	s23 =	sadd.s32 $0x3580, s13;
	s24 =	sadd.s32 $0x5F0, s12  }
0x26a: {  	[hbm4b:s24+s2] =	stream.linear.scatter [tilespmem:s23], [sflag:$0x1], $0x80, $0x38;
	[tilespmem:$0x8980] =	vst v63  }
0x26b: {  	s25 =	sadd.s32 $0x3980, s13;
	s26 =	sadd.s32 $0x670, s12  }
0x26c: {  	[hbm4b:s26+s2] =	stream.linear.scatter [tilespmem:s25], [sflag:$0x1], $0x80, $0x38;
	[tilespmem:$0x8980] =	vst v63  }
0x26d: {  	s28 =	sadd.s32 $0x3D80, s13;
	s29 =	sadd.s32 $0x6F0, s12  }
0x26e: {  	[hbm4b:s29+s2] =	stream.linear.scatter [tilespmem:s28], [sflag:$0x1], $0x80, $0x38;
	[tilespmem:$0x8980] =	vst v63  }
0x26f: {  	s30 =	sadd.s32 $0x4180, s13;
	s31 =	sadd.s32 $0x770, s12  }
0x270: {  	[hbm4b:s31+s2] =	stream.linear.scatter [tilespmem:s30], [sflag:$0x1], $0x80, $0x38;
	[tilespmem:$0x8980] =	vst v63  }
0x271: {  	s13 =	sadd.s32 $0x4580, s13;
	s12 =	sadd.s32 $0x7F0, s12  }
0x272: {  	[hbm4b:s12+s2] =	stream.linear.scatter [tilespmem:s13], [sflag:$0x1], $0x80, $0x38;
	[tilespmem:$0x8980] =	vst v63  }
0x273: {  	_ =	swait.ge [sflag:s5], $0x800  }
0x274: {  	[sflag:s5] =	ssyncset.done $0x0  }
0x275: {  	[sflag:s5] =	ssyncadd.s32 $0xFFFFF800  }
0x276: {  	_ =	swait.ge [sflag:s5], $0x800  }
0x277: {  	[sflag:s5] =	ssyncset.done $0x0  }
0x278: {  	[sflag:s5] =	ssyncadd.s32 $0xFFFFF800  }
0x279: {  	_ =	swait.ge [sflag:s5], $0x800  }
0x27a: {  	[sflag:s5] =	ssyncset.done $0x0  }
0x27b: {  	[sflag:s5] =	ssyncadd.s32 $0xFFFFF800  }
0x27c: {  	_ =	swait.ge [sflag:s5], $0x800  }
0x27d: {  	[sflag:s5] =	ssyncset.done $0x0  }
0x27e: {  	[sflag:s5] =	ssyncadd.s32 $0xFFFFF800  }
0x27f: {  	_ =	swait.ge [sflag:s5], $0x800  }
0x280: {  	[sflag:s5] =	ssyncset.done $0x0  }
0x281: {  	[sflag:s5] =	ssyncadd.s32 $0xFFFFF800  }
0x282: {  	_ =	swait.ge [sflag:s5], $0x800  }
0x283: {  	[sflag:s5] =	ssyncset.done $0x0  }
0x284: {  	[sflag:s5] =	ssyncadd.s32 $0xFFFFF800  }
0x285: {  	_ =	swait.ge [sflag:s5], $0x800  }
0x286: {  	[sflag:s5] =	ssyncset.done $0x0  }
0x287: {  	[sflag:s5] =	ssyncadd.s32 $0xFFFFF800  }
0x288: {  	_ =	swait.ge [sflag:s5], $0x800  }
0x289: {  	[sflag:s5] =	ssyncset.done $0x0  }
0x28a: {  	[sflag:s5] =	ssyncadd.s32 $0xFFFFF800  }
0x28b: {  	_ =	swait.ge [sflag:s5], $0x800  }
0x28c: {  	[sflag:s5] =	ssyncset.done $0x0  }
0x28d: {  	[sflag:s5] =	ssyncadd.s32 $0xFFFFF800  }
0x28e: {  	_ =	swait.ge [sflag:s5], $0x800  }
0x28f: {  	[sflag:s5] =	ssyncset.done $0x0  }
0x290: {  	[sflag:s5] =	ssyncadd.s32 $0xFFFFF800  }
0x291: {  	_ =	swait.ge [sflag:s5], $0x800  }
0x292: {  	[sflag:s5] =	ssyncset.done $0x0  }
0x293: {  	[sflag:s5] =	ssyncadd.s32 $0xFFFFF800  }
0x294: {  	_ =	swait.ge [sflag:s5], $0x800  }
0x295: {  	[sflag:s5] =	ssyncset.done $0x0  }
0x296: {  	[sflag:s5] =	ssyncadd.s32 $0xFFFFF800  }
0x297: {  	_ =	swait.ge [sflag:s5], $0x800  }
0x298: {  	[sflag:s5] =	ssyncset.done $0x0  }
0x299: {  	[sflag:s5] =	ssyncadd.s32 $0xFFFFF800  }
0x29a: {  	_ =	swait.ge [sflag:s5], $0x800  }
0x29b: {  	[sflag:s5] =	ssyncset.done $0x0  }
0x29c: {  	[sflag:s5] =	ssyncadd.s32 $0xFFFFF800  }
0x29d: {  	p0 =	sne.s32 s11, $0x3F000;
	_ =	swait.ge [sflag:s5], $0x800  }
.Ltmp1:
0x29e: {  	[sflag:s5] =	ssyncset.done $0x0;
	(pc) =	sbr.rel @p0 .LBB2_4-.Ltmp1, $4  }
0x29f: {  	[sflag:s5] =	ssyncadd.s32 $0xFFFFF800  }
0x2a0: {  	_ =	swait.ge [sflag:s5], $0x800  }
0x2a1: {  	[sflag:s5] =	ssyncset.done $0x0  }
0x2a2: {  	s10 =	sadd.s32 $0x10, s10;
	s11 =	sadd.s32 $0x1000, s11;
	[sflag:s5] =	ssyncadd.s32 $0xFFFFF800  }
0x2a3: {  	s9 =	sadd.s32 $0x1, s9  }
0x2a4: {  	p0 =	sne.s32 s9, s6  }
.Ltmp2:
0x2a5: {  	_ = 	snop;
	(pc) =	sbr.rel @p0 .LBB2_1-.Ltmp2, $1  }
0x2a6: {  	_ =	sdelay $0x3  }
0x2a7: {  	_ =	sfence.sel $0x180000  }
0x2a8: {  	[bflag:$0x0] =	sbarrier.arrive $0xFFFF  }
0x2a9: {  	p0 =	sne.s32 s1, $0x0;
	_ =	strace $0x90000047  }
0x2aa: {  	s0 =	sadd.s32 @!p0 $0x100000, s0;
	[bflag:$0x2] =	sbarrier.arrive $0xFFFF  }
0x2ab: {  	[sflag:s0] =	ssyncadd.tile.s32 @!p0 $0x1;
	_ =	shalt  }
.Lfunc_end2:
_tile_overlayer_lowered:
.L_overlay_start_2:
0x2ac: {  	(tag) =	ssettag $0x2  }
0x2ad: {  	s0 =	rddreg [dreg:$0x0];
	s2 =	stileid.u32  }
0x2ae: {  	s1 =	rddreg [dreg:$0x1];
	p0 =	sne.s32 s2, $0x0  }
0x2af: {  	s3 =	rddreg [dreg:$0x2];
	[bflag:$0x3] =	sbarrier.arrive $0xFFFF;
	s2 =	simm.s32 @!p0 $0x1C02  }
0x2b0: {  	[timem:s3], [sflag:s2] =	dma.local @!p0 [hbm:s0], s1  }
0x2b1: {  	s0 =	simm.s32 @!p0 $0x2  }
0x2b2: {  	_ =	swait.ge @!p0 [sflag:s0], s1  }
0x2b3: {  	s1 =	ssub.s32 @!p0 $0x0, s1;
	[sflag:s0] =	ssyncset.done @!p0 $0x0  }
0x2b4: {  	[sflag:s0] =	ssyncadd.s32 @!p0 s1  }
0x2b5: {  	[bflag:$0x3] =	sbarrier.arrive $0xFFFF  }
0x2b6: {  	_ =	shalt  }

</sc_bundles>
